<compile_context>
chip_gen: v7x
topology: tpu7x:2x2x1
jax: 0.10.2.dev20260603
libtpu: 0.0.44.dev20260713+nightly
codegen_flags: <defaults>
</compile_context>

<pallas_src>
import functools

import jax
import jax.numpy as jnp
import numpy as np
from jax import lax
from jax.experimental import pallas as pl
from jax.experimental.pallas import tpu as pltpu
from jax.experimental.pallas import tpu_sc as plsc

_N = 16384 * 200
_B = 16384

_info = plsc.get_sparse_core_info()
_NC = _info.num_cores
_NS = _info.num_subcores
_L = _info.num_lanes
_NW = _NC * _NS

_EPW = _N // _NW
_CHUNKE = 25600
_UNROLL = 8
_CHUNKS = [25600] * 4


def _sc_gather_dot(xf, idx, label):
    mesh = plsc.VectorSubcoreMesh(core_axis_name="c", subcore_axis_name="s")

    @functools.partial(
        pl.kernel,
        mesh=mesh,
        out_type=jax.ShapeDtypeStruct((_NW, _L), jnp.float32),
        scratch_types=[
            pltpu.VMEM((_B,), jnp.float32),
            pltpu.VMEM((_CHUNKE,), jnp.float32),
            pltpu.VMEM((_CHUNKE,), jnp.float32),
            pltpu.VMEM((_CHUNKE,), jnp.int32),
            pltpu.VMEM((_CHUNKE,), jnp.int32),
            pltpu.VMEM((_L,), jnp.float32),
            pltpu.SemaphoreType.DMA,
            pltpu.SemaphoreType.DMA,
            pltpu.SemaphoreType.DMA,
        ],
        compiler_params=pltpu.CompilerParams(needs_layout_passes=False),
    )
    def body(x_hbm, idx_hbm, label_hbm, out_hbm,
             label_v, x0_v, x1_v, i0_v, i1_v, acc_v, sem0, sem1, sem_l):
        wid = lax.axis_index("s") * _NC + lax.axis_index("c")
        ebase = wid * _EPW
        xbufs = (x0_v, x1_v)
        ibufs = (i0_v, i1_v)
        sems = (sem0, sem1)
        offs = [sum(_CHUNKS[:c]) for c in range(len(_CHUNKS))]

        def start(c):
            src = pl.ds(ebase + offs[c], _CHUNKS[c])
            b = c % 2
            return (pltpu.async_copy(
                        x_hbm.at[src], xbufs[b].at[pl.ds(0, _CHUNKS[c])],
                        sems[b]),
                    pltpu.async_copy(
                        idx_hbm.at[src], ibufs[b].at[pl.ds(0, _CHUNKS[c])],
                        sems[b]))

        pending = start(0)
        label_h = pltpu.async_copy(label_hbm, label_v, sem_l)
        accs = (jnp.zeros((_L,), jnp.float32),) * 4
        for c in range(len(_CHUNKS)):
            for h in pending:
                h.wait()
            if c == 0:
                label_h.wait()
            if c + 1 < len(_CHUNKS):
                pending = start(c + 1)
            x_v = xbufs[c % 2]
            idx_v = ibufs[c % 2]

            def step(r, accs):
                accs = list(accs)
                for u in range(_UNROLL):
                    o = r * _L * _UNROLL + u * _L
                    xv = x_v[pl.ds(o, _L)]
                    iv = idx_v[pl.ds(o, _L)]
                    g = plsc.load_gather(label_v, [iv])
                    accs[u % 4] = accs[u % 4] + xv * g
                return tuple(accs)

            accs = lax.fori_loop(0, _CHUNKS[c] // (_L * _UNROLL), step, accs)

        acc_v[...] = (accs[0] + accs[1]) + (accs[2] + accs[3])
        pltpu.sync_copy(acc_v, out_hbm.at[wid])

    return body(xf, idx, label)


_TC_GRID = 8
_TC_BLK = _N // _TC_GRID


def _tc_dense_body(x_ref, o_ref):
    v = x_ref[...].reshape(_TC_BLK // 128, 128)
    val = jnp.maximum(v, 0.0) + jnp.log1p(jnp.exp(-jnp.abs(v)))
    s = jnp.sum(val, axis=0, keepdims=True)

    @pl.when(pl.program_id(0) == 0)
    def _init():
        o_ref[...] = s

    @pl.when(pl.program_id(0) != 0)
    def _acc():
        o_ref[...] += s


def _tc_dense_sum(xf):
    return pl.pallas_call(
        _tc_dense_body,
        grid=(_TC_GRID,),
        in_specs=[pl.BlockSpec((_TC_BLK,), lambda i: (i,))],
        out_specs=pl.BlockSpec((1, 128), lambda i: (0, 0)),
        out_shape=jax.ShapeDtypeStruct((1, 128), jnp.float32),
    )(xf)


def kernel(X, batch_idx, label):
    xf = X.reshape(_N)
    sc_parts = _sc_gather_dot(xf, batch_idx.astype(jnp.int32), label)
    tc_parts = _tc_dense_sum(xf)
    total = jnp.sum(tc_parts) - jnp.sum(sc_parts)
    return total * np.float32(1.0 / _N)

# --- scband reference (transcript-rebuilt; emitter-appended) ---
"""Pipeline reference for scband-selected-features-loss-33938831573299 (READ-ONLY COPY).

The authoritative reference and input builder live on the scoring server;
editing this copy changes nothing except your own understanding.
"""

import jax, jax.numpy as jnp
import numpy as np

N = 16384 * 200
B = 16384

def setup_inputs(seed: int = 0) -> dict:
    key = jax.random.key(seed)
    k1, k2, k3 = jax.random.split(key, 3)
    X = jax.random.normal(k1, (N, 1), dtype=jnp.float32)
    batch_idx = jnp.sort(jax.random.randint(k2, (N,), 0, B)).astype(jnp.int64)
    label = jax.random.uniform(k3, (B,), dtype=jnp.float32)
    return {"X": X, "batch_idx": batch_idx, "label": label}

def reference(X, batch_idx, label):
    # torch loop `for i in batch_idx.unique(): label_broadcast[batch_idx==i]=label[i]`
    # is exactly a gather: label_broadcast = label[batch_idx]
    label_broadcast = jnp.take(label, batch_idx, axis=0)  # [N]
    target = label_broadcast[:, None]                     # broadcast to X's [N, 1]
    # binary_cross_entropy_with_logits, reduction='mean' (numerically stable form)
    loss = jnp.maximum(X, 0.0) - X * target + jnp.log1p(jnp.exp(-jnp.abs(X)))
    return jnp.mean(loss)

if __name__ == "__main__":
    import jax
    _d = setup_inputs()
    print(jax.jit(kernel)(*tuple(_d.values())))

</pallas_src>

<mosaic_0001>
#map = affine_map<(d0, d1) -> (0)>
#map1 = affine_map<(d0, d1) -> (0, 0)>
module attributes {stable_mosaic.version = 14 : i64} {
  func.func @body(%arg0: i32, %arg1: i32, %arg2: memref<3276800xf32, #tpu.memory_space<hbm>>, %arg3: memref<3276800xi32, #tpu.memory_space<hbm>>, %arg4: memref<16384xf32, #tpu.memory_space<hbm>>, %arg5: memref<32x16xf32, #tpu.memory_space<hbm>>, %arg6: memref<16384xf32, #tpu.memory_space<vmem>>, %arg7: memref<25600xf32, #tpu.memory_space<vmem>>, %arg8: memref<25600xf32, #tpu.memory_space<vmem>>, %arg9: memref<25600xi32, #tpu.memory_space<vmem>>, %arg10: memref<25600xi32, #tpu.memory_space<vmem>>, %arg11: memref<16xf32, #tpu.memory_space<vmem>>, %arg12: memref<!tpu.dma_semaphore, #tpu.memory_space<semaphore_mem>>, %arg13: memref<!tpu.dma_semaphore, #tpu.memory_space<semaphore_mem>>, %arg14: memref<!tpu.dma_semaphore, #tpu.memory_space<semaphore_mem>>) attributes {dimension_semantics = [#tpu.dimension_semantics<core_parallel>, #tpu.dimension_semantics<subcore_parallel>], iteration_bounds = array<i64: 2, 16>, scalar_prefetch = 0 : i64, scratch_operands = 9 : i64, tpu.core_type = #tpu.core_type<sc_vector_subcore>, window_params = [{transform_indices = #map}, {transform_indices = #map}, {transform_indices = #map}, {transform_indices = #map1}]} {
    %mul3A = arith.constant 2 : i32
    %mul3A_0 = arith.muli %arg1, %mul3A : i32
    %add3A = arith.addi %mul3A_0, %arg0 : i32
    %mul3A_1 = arith.constant 102400 : i32
    %mul3A_2 = arith.muli %add3A, %mul3A_1 : i32
    %add3A_3 = arith.constant 0 : i32
    %add3A_4 = arith.addi %mul3A_2, %add3A_3 : i32
    %dma_start3A = arith.constant 0 : i32
    %dma_start3A_5 = tpu.memref_slice %arg7[%dma_start3A] : memref<25600xf32, #tpu.memory_space<vmem>> -> memref<25600xf32, #tpu.memory_space<vmem>>
    %dma_start3A_6 = tpu.memref_slice %arg2[%add3A_4] : memref<3276800xf32, #tpu.memory_space<hbm>> -> memref<25600xf32, #tpu.memory_space<hbm>>
    %dma_start3A_7 = arith.constant 0 : i32
    %dma_start3A_8 = tpu.memref_slice %arg7[%dma_start3A_7] : memref<25600xf32, #tpu.memory_space<vmem>> -> memref<25600xf32, #tpu.memory_space<vmem>>
    %dma_start3A_9 = tpu.memref_slice %arg2[%add3A_4] : memref<3276800xf32, #tpu.memory_space<hbm>> -> memref<25600xf32, #tpu.memory_space<hbm>>
    tpu.enqueue_dma source(%dma_start3A_9 : memref<25600xf32, #tpu.memory_space<hbm>>) target(%dma_start3A_8 : memref<25600xf32, #tpu.memory_space<vmem>>) target_semaphore(%arg12 : memref<!tpu.dma_semaphore, #tpu.memory_space<semaphore_mem>>)
    %dma_start3A_10 = arith.constant 0 : i32
    %dma_start3A_11 = tpu.memref_slice %arg9[%dma_start3A_10] : memref<25600xi32, #tpu.memory_space<vmem>> -> memref<25600xi32, #tpu.memory_space<vmem>>
    %dma_start3A_12 = tpu.memref_slice %arg3[%add3A_4] : memref<3276800xi32, #tpu.memory_space<hbm>> -> memref<25600xi32, #tpu.memory_space<hbm>>
    %dma_start3A_13 = arith.constant 0 : i32
    %dma_start3A_14 = tpu.memref_slice %arg9[%dma_start3A_13] : memref<25600xi32, #tpu.memory_space<vmem>> -> memref<25600xi32, #tpu.memory_space<vmem>>
    %dma_start3A_15 = tpu.memref_slice %arg3[%add3A_4] : memref<3276800xi32, #tpu.memory_space<hbm>> -> memref<25600xi32, #tpu.memory_space<hbm>>
    tpu.enqueue_dma source(%dma_start3A_15 : memref<25600xi32, #tpu.memory_space<hbm>>) target(%dma_start3A_14 : memref<25600xi32, #tpu.memory_space<vmem>>) target_semaphore(%arg12 : memref<!tpu.dma_semaphore, #tpu.memory_space<semaphore_mem>>)
    tpu.enqueue_dma source(%arg4 : memref<16384xf32, #tpu.memory_space<hbm>>) target(%arg6 : memref<16384xf32, #tpu.memory_space<vmem>>) target_semaphore(%arg14 : memref<!tpu.dma_semaphore, #tpu.memory_space<semaphore_mem>>)
    %broadcast_in_dim3A = arith.constant 0.000000e+00 : f32
    %broadcast_in_dim3A_16 = vector.broadcast %broadcast_in_dim3A : f32 to vector<16xf32>
    %dma_wait3A = arith.constant 0 : i32
    %dma_wait3A_17 = tpu.memref_slice %arg7[%dma_wait3A] : memref<25600xf32, #tpu.memory_space<vmem>> -> memref<25600xf32, #tpu.memory_space<vmem>>
    %dma_wait3A_18 = tpu.memref_slice %arg2[%add3A_4] : memref<3276800xf32, #tpu.memory_space<hbm>> -> memref<25600xf32, #tpu.memory_space<hbm>>
    %dma_wait3A_19 = arith.constant 0 : i32
    %dma_wait3A_20 = tpu.memref_slice %arg7[%dma_wait3A_19] : memref<25600xf32, #tpu.memory_space<vmem>> -> memref<25600xf32, #tpu.memory_space<vmem>>
    %dma_wait3A_21 = tpu.memref_slice %arg2[%add3A_4] : memref<3276800xf32, #tpu.memory_space<hbm>> -> memref<25600xf32, #tpu.memory_space<hbm>>
    tpu.wait_dma2 semaphore(%arg12 : memref<!tpu.dma_semaphore, #tpu.memory_space<semaphore_mem>>) src(%dma_wait3A_21 : memref<25600xf32, #tpu.memory_space<hbm>>) dst(%dma_wait3A_20 : memref<25600xf32, #tpu.memory_space<vmem>>)
    %dma_wait3A_22 = arith.constant 0 : i32
    %dma_wait3A_23 = tpu.memref_slice %arg9[%dma_wait3A_22] : memref<25600xi32, #tpu.memory_space<vmem>> -> memref<25600xi32, #tpu.memory_space<vmem>>
    %dma_wait3A_24 = tpu.memref_slice %arg3[%add3A_4] : memref<3276800xi32, #tpu.memory_space<hbm>> -> memref<25600xi32, #tpu.memory_space<hbm>>
    %dma_wait3A_25 = arith.constant 0 : i32
    %dma_wait3A_26 = tpu.memref_slice %arg9[%dma_wait3A_25] : memref<25600xi32, #tpu.memory_space<vmem>> -> memref<25600xi32, #tpu.memory_space<vmem>>
    %dma_wait3A_27 = tpu.memref_slice %arg3[%add3A_4] : memref<3276800xi32, #tpu.memory_space<hbm>> -> memref<25600xi32, #tpu.memory_space<hbm>>
    tpu.wait_dma2 semaphore(%arg12 : memref<!tpu.dma_semaphore, #tpu.memory_space<semaphore_mem>>) src(%dma_wait3A_27 : memref<25600xi32, #tpu.memory_space<hbm>>) dst(%dma_wait3A_26 : memref<25600xi32, #tpu.memory_space<vmem>>)
    tpu.wait_dma2 semaphore(%arg14 : memref<!tpu.dma_semaphore, #tpu.memory_space<semaphore_mem>>) src(%arg4 : memref<16384xf32, #tpu.memory_space<hbm>>) dst(%arg6 : memref<16384xf32, #tpu.memory_space<vmem>>)
    %add3A_28 = arith.constant 25600 : i32
    %add3A_29 = arith.addi %mul3A_2, %add3A_28 : i32
    %dma_start3A_30 = arith.constant 0 : i32
    %dma_start3A_31 = tpu.memref_slice %arg8[%dma_start3A_30] : memref<25600xf32, #tpu.memory_space<vmem>> -> memref<25600xf32, #tpu.memory_space<vmem>>
    %dma_start3A_32 = tpu.memref_slice %arg2[%add3A_29] : memref<3276800xf32, #tpu.memory_space<hbm>> -> memref<25600xf32, #tpu.memory_space<hbm>>
    %dma_start3A_33 = arith.constant 0 : i32
    %dma_start3A_34 = tpu.memref_slice %arg8[%dma_start3A_33] : memref<25600xf32, #tpu.memory_space<vmem>> -> memref<25600xf32, #tpu.memory_space<vmem>>
    %dma_start3A_35 = tpu.memref_slice %arg2[%add3A_29] : memref<3276800xf32, #tpu.memory_space<hbm>> -> memref<25600xf32, #tpu.memory_space<hbm>>
    tpu.enqueue_dma source(%dma_start3A_35 : memref<25600xf32, #tpu.memory_space<hbm>>) target(%dma_start3A_34 : memref<25600xf32, #tpu.memory_space<vmem>>) target_semaphore(%arg13 : memref<!tpu.dma_semaphore, #tpu.memory_space<semaphore_mem>>)
    %dma_start3A_36 = arith.constant 0 : i32
    %dma_start3A_37 = tpu.memref_slice %arg10[%dma_start3A_36] : memref<25600xi32, #tpu.memory_space<vmem>> -> memref<25600xi32, #tpu.memory_space<vmem>>
    %dma_start3A_38 = tpu.memref_slice %arg3[%add3A_29] : memref<3276800xi32, #tpu.memory_space<hbm>> -> memref<25600xi32, #tpu.memory_space<hbm>>
    %dma_start3A_39 = arith.constant 0 : i32
    %dma_start3A_40 = tpu.memref_slice %arg10[%dma_start3A_39] : memref<25600xi32, #tpu.memory_space<vmem>> -> memref<25600xi32, #tpu.memory_space<vmem>>
    %dma_start3A_41 = tpu.memref_slice %arg3[%add3A_29] : memref<3276800xi32, #tpu.memory_space<hbm>> -> memref<25600xi32, #tpu.memory_space<hbm>>
    tpu.enqueue_dma source(%dma_start3A_41 : memref<25600xi32, #tpu.memory_space<hbm>>) target(%dma_start3A_40 : memref<25600xi32, #tpu.memory_space<vmem>>) target_semaphore(%arg13 : memref<!tpu.dma_semaphore, #tpu.memory_space<semaphore_mem>>)
    %scan3A = arith.constant 0 : i32
    %scan3A_42 = arith.constant 200 : i32
    %scan3A_43 = arith.addi %scan3A, %scan3A_42 : i32
    %scan3A_44 = arith.constant 1 : i32
    %scan3A_45:4 = scf.for %scan3A_133 = %scan3A to %scan3A_43 step %scan3A_44 iter_args(%scan3A_134 = %broadcast_in_dim3A_16, %scan3A_135 = %broadcast_in_dim3A_16, %scan3A_136 = %broadcast_in_dim3A_16, %scan3A_137 = %broadcast_in_dim3A_16) -> (vector<16xf32>, vector<16xf32>, vector<16xf32>, vector<16xf32>)  : i32 {
      %mul3A_138 = arith.constant 16 : i32
      %mul3A_139 = arith.muli %scan3A_133, %mul3A_138 : i32
      %mul3A_140 = arith.constant 8 : i32
      %mul3A_141 = arith.muli %mul3A_139, %mul3A_140 : i32
      %add3A_142 = arith.constant 0 : i32
      %add3A_143 = arith.addi %mul3A_141, %add3A_142 : i32
      %get3A = arith.index_cast %add3A_143 : i32 to index
      %get3A_144 = tpu.vector_load %arg7[%get3A] {strides = array<i32>} : memref<25600xf32, #tpu.memory_space<vmem>>, vector<16xf32>,
      %get3A_145 = arith.index_cast %add3A_143 : i32 to index
      %get3A_146 = tpu.vector_load %arg9[%get3A_145] {strides = array<i32>} : memref<25600xi32, #tpu.memory_space<vmem>>, vector<16xi32>,
      %gather3A = tpu.vector_load_idx %arg6[%get3A_146] : memref<16384xf32, #tpu.memory_space<vmem>>[vector<16xi32>], vector<16xf32>,
      %mul3A_147 = arith.mulf %get3A_144, %gather3A : vector<16xf32>
      %add3A_148 = arith.addf %scan3A_134, %mul3A_147 : vector<16xf32>
      %mul3A_149 = arith.constant 16 : i32
      %mul3A_150 = arith.muli %scan3A_133, %mul3A_149 : i32
      %mul3A_151 = arith.constant 8 : i32
      %mul3A_152 = arith.muli %mul3A_150, %mul3A_151 : i32
      %add3A_153 = arith.constant 16 : i32
      %add3A_154 = arith.addi %mul3A_152, %add3A_153 : i32
      %get3A_155 = arith.index_cast %add3A_154 : i32 to index
      %get3A_156 = tpu.vector_load %arg7[%get3A_155] {strides = array<i32>} : memref<25600xf32, #tpu.memory_space<vmem>>, vector<16xf32>,
      %get3A_157 = arith.index_cast %add3A_154 : i32 to index
      %get3A_158 = tpu.vector_load %arg9[%get3A_157] {strides = array<i32>} : memref<25600xi32, #tpu.memory_space<vmem>>, vector<16xi32>,
      %gather3A_159 = tpu.vector_load_idx %arg6[%get3A_158] : memref<16384xf32, #tpu.memory_space<vmem>>[vector<16xi32>], vector<16xf32>,
      %mul3A_160 = arith.mulf %get3A_156, %gather3A_159 : vector<16xf32>
      %add3A_161 = arith.addf %scan3A_135, %mul3A_160 : vector<16xf32>
      %mul3A_162 = arith.constant 16 : i32
      %mul3A_163 = arith.muli %scan3A_133, %mul3A_162 : i32
      %mul3A_164 = arith.constant 8 : i32
      %mul3A_165 = arith.muli %mul3A_163, %mul3A_164 : i32
      %add3A_166 = arith.constant 32 : i32
      %add3A_167 = arith.addi %mul3A_165, %add3A_166 : i32
      %get3A_168 = arith.index_cast %add3A_167 : i32 to index
      %get3A_169 = tpu.vector_load %arg7[%get3A_168] {strides = array<i32>} : memref<25600xf32, #tpu.memory_space<vmem>>, vector<16xf32>,
      %get3A_170 = arith.index_cast %add3A_167 : i32 to index
      %get3A_171 = tpu.vector_load %arg9[%get3A_170] {strides = array<i32>} : memref<25600xi32, #tpu.memory_space<vmem>>, vector<16xi32>,
      %gather3A_172 = tpu.vector_load_idx %arg6[%get3A_171] : memref<16384xf32, #tpu.memory_space<vmem>>[vector<16xi32>], vector<16xf32>,
      %mul3A_173 = arith.mulf %get3A_169, %gather3A_172 : vector<16xf32>
      %add3A_174 = arith.addf %scan3A_136, %mul3A_173 : vector<16xf32>
      %mul3A_175 = arith.constant 16 : i32
      %mul3A_176 = arith.muli %scan3A_133, %mul3A_175 : i32
      %mul3A_177 = arith.constant 8 : i32
      %mul3A_178 = arith.muli %mul3A_176, %mul3A_177 : i32
      %add3A_179 = arith.constant 48 : i32
      %add3A_180 = arith.addi %mul3A_178, %add3A_179 : i32
      %get3A_181 = arith.index_cast %add3A_180 : i32 to index
      %get3A_182 = tpu.vector_load %arg7[%get3A_181] {strides = array<i32>} : memref<25600xf32, #tpu.memory_space<vmem>>, vector<16xf32>,
      %get3A_183 = arith.index_cast %add3A_180 : i32 to index
      %get3A_184 = tpu.vector_load %arg9[%get3A_183] {strides = array<i32>} : memref<25600xi32, #tpu.memory_space<vmem>>, vector<16xi32>,
      %gather3A_185 = tpu.vector_load_idx %arg6[%get3A_184] : memref<16384xf32, #tpu.memory_space<vmem>>[vector<16xi32>], vector<16xf32>,
      %mul3A_186 = arith.mulf %get3A_182, %gather3A_185 : vector<16xf32>
      %add3A_187 = arith.addf %scan3A_137, %mul3A_186 : vector<16xf32>
      %mul3A_188 = arith.constant 16 : i32
      %mul3A_189 = arith.muli %scan3A_133, %mul3A_188 : i32
      %mul3A_190 = arith.constant 8 : i32
      %mul3A_191 = arith.muli %mul3A_189, %mul3A_190 : i32
      %add3A_192 = arith.constant 64 : i32
      %add3A_193 = arith.addi %mul3A_191, %add3A_192 : i32
      %get3A_194 = arith.index_cast %add3A_193 : i32 to index
      %get3A_195 = tpu.vector_load %arg7[%get3A_194] {strides = array<i32>} : memref<25600xf32, #tpu.memory_space<vmem>>, vector<16xf32>,
      %get3A_196 = arith.index_cast %add3A_193 : i32 to index
      %get3A_197 = tpu.vector_load %arg9[%get3A_196] {strides = array<i32>} : memref<25600xi32, #tpu.memory_space<vmem>>, vector<16xi32>,
      %gather3A_198 = tpu.vector_load_idx %arg6[%get3A_197] : memref<16384xf32, #tpu.memory_space<vmem>>[vector<16xi32>], vector<16xf32>,
      %mul3A_199 = arith.mulf %get3A_195, %gather3A_198 : vector<16xf32>
      %add3A_200 = arith.addf %add3A_148, %mul3A_199 : vector<16xf32>
      %mul3A_201 = arith.constant 16 : i32
      %mul3A_202 = arith.muli %scan3A_133, %mul3A_201 : i32
      %mul3A_203 = arith.constant 8 : i32
      %mul3A_204 = arith.muli %mul3A_202, %mul3A_203 : i32
      %add3A_205 = arith.constant 80 : i32
      %add3A_206 = arith.addi %mul3A_204, %add3A_205 : i32
      %get3A_207 = arith.index_cast %add3A_206 : i32 to index
      %get3A_208 = tpu.vector_load %arg7[%get3A_207] {strides = array<i32>} : memref<25600xf32, #tpu.memory_space<vmem>>, vector<16xf32>,
      %get3A_209 = arith.index_cast %add3A_206 : i32 to index
      %get3A_210 = tpu.vector_load %arg9[%get3A_209] {strides = array<i32>} : memref<25600xi32, #tpu.memory_space<vmem>>, vector<16xi32>,
      %gather3A_211 = tpu.vector_load_idx %arg6[%get3A_210] : memref<16384xf32, #tpu.memory_space<vmem>>[vector<16xi32>], vector<16xf32>,
      %mul3A_212 = arith.mulf %get3A_208, %gather3A_211 : vector<16xf32>
      %add3A_213 = arith.addf %add3A_161, %mul3A_212 : vector<16xf32>
      %mul3A_214 = arith.constant 16 : i32
      %mul3A_215 = arith.muli %scan3A_133, %mul3A_214 : i32
      %mul3A_216 = arith.constant 8 : i32
      %mul3A_217 = arith.muli %mul3A_215, %mul3A_216 : i32
      %add3A_218 = arith.constant 96 : i32
      %add3A_219 = arith.addi %mul3A_217, %add3A_218 : i32
      %get3A_220 = arith.index_cast %add3A_219 : i32 to index
      %get3A_221 = tpu.vector_load %arg7[%get3A_220] {strides = array<i32>} : memref<25600xf32, #tpu.memory_space<vmem>>, vector<16xf32>,
      %get3A_222 = arith.index_cast %add3A_219 : i32 to index
      %get3A_223 = tpu.vector_load %arg9[%get3A_222] {strides = array<i32>} : memref<25600xi32, #tpu.memory_space<vmem>>, vector<16xi32>,
      %gather3A_224 = tpu.vector_load_idx %arg6[%get3A_223] : memref<16384xf32, #tpu.memory_space<vmem>>[vector<16xi32>], vector<16xf32>,
      %mul3A_225 = arith.mulf %get3A_221, %gather3A_224 : vector<16xf32>
      %add3A_226 = arith.addf %add3A_174, %mul3A_225 : vector<16xf32>
      %mul3A_227 = arith.constant 16 : i32
      %mul3A_228 = arith.muli %scan3A_133, %mul3A_227 : i32
      %mul3A_229 = arith.constant 8 : i32
      %mul3A_230 = arith.muli %mul3A_228, %mul3A_229 : i32
      %add3A_231 = arith.constant 112 : i32
      %add3A_232 = arith.addi %mul3A_230, %add3A_231 : i32
      %get3A_233 = arith.index_cast %add3A_232 : i32 to index
      %get3A_234 = tpu.vector_load %arg7[%get3A_233] {strides = array<i32>} : memref<25600xf32, #tpu.memory_space<vmem>>, vector<16xf32>,
      %get3A_235 = arith.index_cast %add3A_232 : i32 to index
      %get3A_236 = tpu.vector_load %arg9[%get3A_235] {strides = array<i32>} : memref<25600xi32, #tpu.memory_space<vmem>>, vector<16xi32>,
      %gather3A_237 = tpu.vector_load_idx %arg6[%get3A_236] : memref<16384xf32, #tpu.memory_space<vmem>>[vector<16xi32>], vector<16xf32>,
      %mul3A_238 = arith.mulf %get3A_234, %gather3A_237 : vector<16xf32>
      %add3A_239 = arith.addf %add3A_187, %mul3A_238 : vector<16xf32>
      scf.yield %add3A_200, %add3A_213, %add3A_226, %add3A_239 : vector<16xf32>, vector<16xf32>, vector<16xf32>, vector<16xf32>
    }
    %scan3A_46 = arith.constant 200 : i32
    %dma_wait3A_47 = arith.constant 0 : i32
    %dma_wait3A_48 = tpu.memref_slice %arg8[%dma_wait3A_47] : memref<25600xf32, #tpu.memory_space<vmem>> -> memref<25600xf32, #tpu.memory_space<vmem>>
    %dma_wait3A_49 = tpu.memref_slice %arg2[%add3A_29] : memref<3276800xf32, #tpu.memory_space<hbm>> -> memref<25600xf32, #tpu.memory_space<hbm>>
    %dma_wait3A_50 = arith.constant 0 : i32
    %dma_wait3A_51 = tpu.memref_slice %arg8[%dma_wait3A_50] : memref<25600xf32, #tpu.memory_space<vmem>> -> memref<25600xf32, #tpu.memory_space<vmem>>
    %dma_wait3A_52 = tpu.memref_slice %arg2[%add3A_29] : memref<3276800xf32, #tpu.memory_space<hbm>> -> memref<25600xf32, #tpu.memory_space<hbm>>
    tpu.wait_dma2 semaphore(%arg13 : memref<!tpu.dma_semaphore, #tpu.memory_space<semaphore_mem>>) src(%dma_wait3A_52 : memref<25600xf32, #tpu.memory_space<hbm>>) dst(%dma_wait3A_51 : memref<25600xf32, #tpu.memory_space<vmem>>)
    %dma_wait3A_53 = arith.constant 0 : i32
    %dma_wait3A_54 = tpu.memref_slice %arg10[%dma_wait3A_53] : memref<25600xi32, #tpu.memory_space<vmem>> -> memref<25600xi32, #tpu.memory_space<vmem>>
    %dma_wait3A_55 = tpu.memref_slice %arg3[%add3A_29] : memref<3276800xi32, #tpu.memory_space<hbm>> -> memref<25600xi32, #tpu.memory_space<hbm>>
    %dma_wait3A_56 = arith.constant 0 : i32
    %dma_wait3A_57 = tpu.memref_slice %arg10[%dma_wait3A_56] : memref<25600xi32, #tpu.memory_space<vmem>> -> memref<25600xi32, #tpu.memory_space<vmem>>
    %dma_wait3A_58 = tpu.memref_slice %arg3[%add3A_29] : memref<3276800xi32, #tpu.memory_space<hbm>> -> memref<25600xi32, #tpu.memory_space<hbm>>
    tpu.wait_dma2 semaphore(%arg13 : memref<!tpu.dma_semaphore, #tpu.memory_space<semaphore_mem>>) src(%dma_wait3A_58 : memref<25600xi32, #tpu.memory_space<hbm>>) dst(%dma_wait3A_57 : memref<25600xi32, #tpu.memory_space<vmem>>)
    %add3A_59 = arith.constant 51200 : i32
    %add3A_60 = arith.addi %mul3A_2, %add3A_59 : i32
    %dma_start3A_61 = arith.constant 0 : i32
    %dma_start3A_62 = tpu.memref_slice %arg7[%dma_start3A_61] : memref<25600xf32, #tpu.memory_space<vmem>> -> memref<25600xf32, #tpu.memory_space<vmem>>
    %dma_start3A_63 = tpu.memref_slice %arg2[%add3A_60] : memref<3276800xf32, #tpu.memory_space<hbm>> -> memref<25600xf32, #tpu.memory_space<hbm>>
    %dma_start3A_64 = arith.constant 0 : i32
    %dma_start3A_65 = tpu.memref_slice %arg7[%dma_start3A_64] : memref<25600xf32, #tpu.memory_space<vmem>> -> memref<25600xf32, #tpu.memory_space<vmem>>
    %dma_start3A_66 = tpu.memref_slice %arg2[%add3A_60] : memref<3276800xf32, #tpu.memory_space<hbm>> -> memref<25600xf32, #tpu.memory_space<hbm>>
    tpu.enqueue_dma source(%dma_start3A_66 : memref<25600xf32, #tpu.memory_space<hbm>>) target(%dma_start3A_65 : memref<25600xf32, #tpu.memory_space<vmem>>) target_semaphore(%arg12 : memref<!tpu.dma_semaphore, #tpu.memory_space<semaphore_mem>>)
    %dma_start3A_67 = arith.constant 0 : i32
    %dma_start3A_68 = tpu.memref_slice %arg9[%dma_start3A_67] : memref<25600xi32, #tpu.memory_space<vmem>> -> memref<25600xi32, #tpu.memory_space<vmem>>
    %dma_start3A_69 = tpu.memref_slice %arg3[%add3A_60] : memref<3276800xi32, #tpu.memory_space<hbm>> -> memref<25600xi32, #tpu.memory_space<hbm>>
    %dma_start3A_70 = arith.constant 0 : i32
    %dma_start3A_71 = tpu.memref_slice %arg9[%dma_start3A_70] : memref<25600xi32, #tpu.memory_space<vmem>> -> memref<25600xi32, #tpu.memory_space<vmem>>
    %dma_start3A_72 = tpu.memref_slice %arg3[%add3A_60] : memref<3276800xi32, #tpu.memory_space<hbm>> -> memref<25600xi32, #tpu.memory_space<hbm>>
    tpu.enqueue_dma source(%dma_start3A_72 : memref<25600xi32, #tpu.memory_space<hbm>>) target(%dma_start3A_71 : memref<25600xi32, #tpu.memory_space<vmem>>) target_semaphore(%arg12 : memref<!tpu.dma_semaphore, #tpu.memory_space<semaphore_mem>>)
    %scan3A_73 = arith.constant 0 : i32
    %scan3A_74 = arith.constant 200 : i32
    %scan3A_75 = arith.addi %scan3A_73, %scan3A_74 : i32
    %scan3A_76 = arith.constant 1 : i32
    %scan3A_77:4 = scf.for %scan3A_133 = %scan3A_73 to %scan3A_75 step %scan3A_76 iter_args(%scan3A_134 = %scan3A_45#0, %scan3A_135 = %scan3A_45#1, %scan3A_136 = %scan3A_45#2, %scan3A_137 = %scan3A_45#3) -> (vector<16xf32>, vector<16xf32>, vector<16xf32>, vector<16xf32>)  : i32 {
      %mul3A_138 = arith.constant 16 : i32
      %mul3A_139 = arith.muli %scan3A_133, %mul3A_138 : i32
      %mul3A_140 = arith.constant 8 : i32
      %mul3A_141 = arith.muli %mul3A_139, %mul3A_140 : i32
      %add3A_142 = arith.constant 0 : i32
      %add3A_143 = arith.addi %mul3A_141, %add3A_142 : i32
      %get3A = arith.index_cast %add3A_143 : i32 to index
      %get3A_144 = tpu.vector_load %arg8[%get3A] {strides = array<i32>} : memref<25600xf32, #tpu.memory_space<vmem>>, vector<16xf32>,
      %get3A_145 = arith.index_cast %add3A_143 : i32 to index
      %get3A_146 = tpu.vector_load %arg10[%get3A_145] {strides = array<i32>} : memref<25600xi32, #tpu.memory_space<vmem>>, vector<16xi32>,
      %gather3A = tpu.vector_load_idx %arg6[%get3A_146] : memref<16384xf32, #tpu.memory_space<vmem>>[vector<16xi32>], vector<16xf32>,
      %mul3A_147 = arith.mulf %get3A_144, %gather3A : vector<16xf32>
      %add3A_148 = arith.addf %scan3A_134, %mul3A_147 : vector<16xf32>
      %mul3A_149 = arith.constant 16 : i32
      %mul3A_150 = arith.muli %scan3A_133, %mul3A_149 : i32
      %mul3A_151 = arith.constant 8 : i32
      %mul3A_152 = arith.muli %mul3A_150, %mul3A_151 : i32
      %add3A_153 = arith.constant 16 : i32
      %add3A_154 = arith.addi %mul3A_152, %add3A_153 : i32
      %get3A_155 = arith.index_cast %add3A_154 : i32 to index
      %get3A_156 = tpu.vector_load %arg8[%get3A_155] {strides = array<i32>} : memref<25600xf32, #tpu.memory_space<vmem>>, vector<16xf32>,
      %get3A_157 = arith.index_cast %add3A_154 : i32 to index
      %get3A_158 = tpu.vector_load %arg10[%get3A_157] {strides = array<i32>} : memref<25600xi32, #tpu.memory_space<vmem>>, vector<16xi32>,
      %gather3A_159 = tpu.vector_load_idx %arg6[%get3A_158] : memref<16384xf32, #tpu.memory_space<vmem>>[vector<16xi32>], vector<16xf32>,
      %mul3A_160 = arith.mulf %get3A_156, %gather3A_159 : vector<16xf32>
      %add3A_161 = arith.addf %scan3A_135, %mul3A_160 : vector<16xf32>
      %mul3A_162 = arith.constant 16 : i32
      %mul3A_163 = arith.muli %scan3A_133, %mul3A_162 : i32
      %mul3A_164 = arith.constant 8 : i32
      %mul3A_165 = arith.muli %mul3A_163, %mul3A_164 : i32
      %add3A_166 = arith.constant 32 : i32
      %add3A_167 = arith.addi %mul3A_165, %add3A_166 : i32
      %get3A_168 = arith.index_cast %add3A_167 : i32 to index
      %get3A_169 = tpu.vector_load %arg8[%get3A_168] {strides = array<i32>} : memref<25600xf32, #tpu.memory_space<vmem>>, vector<16xf32>,
      %get3A_170 = arith.index_cast %add3A_167 : i32 to index
      %get3A_171 = tpu.vector_load %arg10[%get3A_170] {strides = array<i32>} : memref<25600xi32, #tpu.memory_space<vmem>>, vector<16xi32>,
      %gather3A_172 = tpu.vector_load_idx %arg6[%get3A_171] : memref<16384xf32, #tpu.memory_space<vmem>>[vector<16xi32>], vector<16xf32>,
      %mul3A_173 = arith.mulf %get3A_169, %gather3A_172 : vector<16xf32>
      %add3A_174 = arith.addf %scan3A_136, %mul3A_173 : vector<16xf32>
      %mul3A_175 = arith.constant 16 : i32
      %mul3A_176 = arith.muli %scan3A_133, %mul3A_175 : i32
      %mul3A_177 = arith.constant 8 : i32
      %mul3A_178 = arith.muli %mul3A_176, %mul3A_177 : i32
      %add3A_179 = arith.constant 48 : i32
      %add3A_180 = arith.addi %mul3A_178, %add3A_179 : i32
      %get3A_181 = arith.index_cast %add3A_180 : i32 to index
      %get3A_182 = tpu.vector_load %arg8[%get3A_181] {strides = array<i32>} : memref<25600xf32, #tpu.memory_space<vmem>>, vector<16xf32>,
      %get3A_183 = arith.index_cast %add3A_180 : i32 to index
      %get3A_184 = tpu.vector_load %arg10[%get3A_183] {strides = array<i32>} : memref<25600xi32, #tpu.memory_space<vmem>>, vector<16xi32>,
      %gather3A_185 = tpu.vector_load_idx %arg6[%get3A_184] : memref<16384xf32, #tpu.memory_space<vmem>>[vector<16xi32>], vector<16xf32>,
      %mul3A_186 = arith.mulf %get3A_182, %gather3A_185 : vector<16xf32>
      %add3A_187 = arith.addf %scan3A_137, %mul3A_186 : vector<16xf32>
      %mul3A_188 = arith.constant 16 : i32
      %mul3A_189 = arith.muli %scan3A_133, %mul3A_188 : i32
      %mul3A_190 = arith.constant 8 : i32
      %mul3A_191 = arith.muli %mul3A_189, %mul3A_190 : i32
      %add3A_192 = arith.constant 64 : i32
      %add3A_193 = arith.addi %mul3A_191, %add3A_192 : i32
      %get3A_194 = arith.index_cast %add3A_193 : i32 to index
      %get3A_195 = tpu.vector_load %arg8[%get3A_194] {strides = array<i32>} : memref<25600xf32, #tpu.memory_space<vmem>>, vector<16xf32>,
      %get3A_196 = arith.index_cast %add3A_193 : i32 to index
      %get3A_197 = tpu.vector_load %arg10[%get3A_196] {strides = array<i32>} : memref<25600xi32, #tpu.memory_space<vmem>>, vector<16xi32>,
      %gather3A_198 = tpu.vector_load_idx %arg6[%get3A_197] : memref<16384xf32, #tpu.memory_space<vmem>>[vector<16xi32>], vector<16xf32>,
      %mul3A_199 = arith.mulf %get3A_195, %gather3A_198 : vector<16xf32>
      %add3A_200 = arith.addf %add3A_148, %mul3A_199 : vector<16xf32>
      %mul3A_201 = arith.constant 16 : i32
      %mul3A_202 = arith.muli %scan3A_133, %mul3A_201 : i32
      %mul3A_203 = arith.constant 8 : i32
      %mul3A_204 = arith.muli %mul3A_202, %mul3A_203 : i32
      %add3A_205 = arith.constant 80 : i32
      %add3A_206 = arith.addi %mul3A_204, %add3A_205 : i32
      %get3A_207 = arith.index_cast %add3A_206 : i32 to index
      %get3A_208 = tpu.vector_load %arg8[%get3A_207] {strides = array<i32>} : memref<25600xf32, #tpu.memory_space<vmem>>, vector<16xf32>,
      %get3A_209 = arith.index_cast %add3A_206 : i32 to index
      %get3A_210 = tpu.vector_load %arg10[%get3A_209] {strides = array<i32>} : memref<25600xi32, #tpu.memory_space<vmem>>, vector<16xi32>,
      %gather3A_211 = tpu.vector_load_idx %arg6[%get3A_210] : memref<16384xf32, #tpu.memory_space<vmem>>[vector<16xi32>], vector<16xf32>,
      %mul3A_212 = arith.mulf %get3A_208, %gather3A_211 : vector<16xf32>
      %add3A_213 = arith.addf %add3A_161, %mul3A_212 : vector<16xf32>
      %mul3A_214 = arith.constant 16 : i32
      %mul3A_215 = arith.muli %scan3A_133, %mul3A_214 : i32
      %mul3A_216 = arith.constant 8 : i32
      %mul3A_217 = arith.muli %mul3A_215, %mul3A_216 : i32
      %add3A_218 = arith.constant 96 : i32
      %add3A_219 = arith.addi %mul3A_217, %add3A_218 : i32
      %get3A_220 = arith.index_cast %add3A_219 : i32 to index
      %get3A_221 = tpu.vector_load %arg8[%get3A_220] {strides = array<i32>} : memref<25600xf32, #tpu.memory_space<vmem>>, vector<16xf32>,
      %get3A_222 = arith.index_cast %add3A_219 : i32 to index
      %get3A_223 = tpu.vector_load %arg10[%get3A_222] {strides = array<i32>} : memref<25600xi32, #tpu.memory_space<vmem>>, vector<16xi32>,
      %gather3A_224 = tpu.vector_load_idx %arg6[%get3A_223] : memref<16384xf32, #tpu.memory_space<vmem>>[vector<16xi32>], vector<16xf32>,
      %mul3A_225 = arith.mulf %get3A_221, %gather3A_224 : vector<16xf32>
      %add3A_226 = arith.addf %add3A_174, %mul3A_225 : vector<16xf32>
      %mul3A_227 = arith.constant 16 : i32
      %mul3A_228 = arith.muli %scan3A_133, %mul3A_227 : i32
      %mul3A_229 = arith.constant 8 : i32
      %mul3A_230 = arith.muli %mul3A_228, %mul3A_229 : i32
      %add3A_231 = arith.constant 112 : i32
      %add3A_232 = arith.addi %mul3A_230, %add3A_231 : i32
      %get3A_233 = arith.index_cast %add3A_232 : i32 to index
      %get3A_234 = tpu.vector_load %arg8[%get3A_233] {strides = array<i32>} : memref<25600xf32, #tpu.memory_space<vmem>>, vector<16xf32>,
      %get3A_235 = arith.index_cast %add3A_232 : i32 to index
      %get3A_236 = tpu.vector_load %arg10[%get3A_235] {strides = array<i32>} : memref<25600xi32, #tpu.memory_space<vmem>>, vector<16xi32>,
      %gather3A_237 = tpu.vector_load_idx %arg6[%get3A_236] : memref<16384xf32, #tpu.memory_space<vmem>>[vector<16xi32>], vector<16xf32>,
      %mul3A_238 = arith.mulf %get3A_234, %gather3A_237 : vector<16xf32>
      %add3A_239 = arith.addf %add3A_187, %mul3A_238 : vector<16xf32>
      scf.yield %add3A_200, %add3A_213, %add3A_226, %add3A_239 : vector<16xf32>, vector<16xf32>, vector<16xf32>, vector<16xf32>
    }
    %scan3A_78 = arith.constant 200 : i32
    %dma_wait3A_79 = arith.constant 0 : i32
    %dma_wait3A_80 = tpu.memref_slice %arg7[%dma_wait3A_79] : memref<25600xf32, #tpu.memory_space<vmem>> -> memref<25600xf32, #tpu.memory_space<vmem>>
    %dma_wait3A_81 = tpu.memref_slice %arg2[%add3A_60] : memref<3276800xf32, #tpu.memory_space<hbm>> -> memref<25600xf32, #tpu.memory_space<hbm>>
    %dma_wait3A_82 = arith.constant 0 : i32
    %dma_wait3A_83 = tpu.memref_slice %arg7[%dma_wait3A_82] : memref<25600xf32, #tpu.memory_space<vmem>> -> memref<25600xf32, #tpu.memory_space<vmem>>
    %dma_wait3A_84 = tpu.memref_slice %arg2[%add3A_60] : memref<3276800xf32, #tpu.memory_space<hbm>> -> memref<25600xf32, #tpu.memory_space<hbm>>
    tpu.wait_dma2 semaphore(%arg12 : memref<!tpu.dma_semaphore, #tpu.memory_space<semaphore_mem>>) src(%dma_wait3A_84 : memref<25600xf32, #tpu.memory_space<hbm>>) dst(%dma_wait3A_83 : memref<25600xf32, #tpu.memory_space<vmem>>)
    %dma_wait3A_85 = arith.constant 0 : i32
    %dma_wait3A_86 = tpu.memref_slice %arg9[%dma_wait3A_85] : memref<25600xi32, #tpu.memory_space<vmem>> -> memref<25600xi32, #tpu.memory_space<vmem>>
    %dma_wait3A_87 = tpu.memref_slice %arg3[%add3A_60] : memref<3276800xi32, #tpu.memory_space<hbm>> -> memref<25600xi32, #tpu.memory_space<hbm>>
    %dma_wait3A_88 = arith.constant 0 : i32
    %dma_wait3A_89 = tpu.memref_slice %arg9[%dma_wait3A_88] : memref<25600xi32, #tpu.memory_space<vmem>> -> memref<25600xi32, #tpu.memory_space<vmem>>
    %dma_wait3A_90 = tpu.memref_slice %arg3[%add3A_60] : memref<3276800xi32, #tpu.memory_space<hbm>> -> memref<25600xi32, #tpu.memory_space<hbm>>
    tpu.wait_dma2 semaphore(%arg12 : memref<!tpu.dma_semaphore, #tpu.memory_space<semaphore_mem>>) src(%dma_wait3A_90 : memref<25600xi32, #tpu.memory_space<hbm>>) dst(%dma_wait3A_89 : memref<25600xi32, #tpu.memory_space<vmem>>)
    %add3A_91 = arith.constant 76800 : i32
    %add3A_92 = arith.addi %mul3A_2, %add3A_91 : i32
    %dma_start3A_93 = arith.constant 0 : i32
    %dma_start3A_94 = tpu.memref_slice %arg8[%dma_start3A_93] : memref<25600xf32, #tpu.memory_space<vmem>> -> memref<25600xf32, #tpu.memory_space<vmem>>
    %dma_start3A_95 = tpu.memref_slice %arg2[%add3A_92] : memref<3276800xf32, #tpu.memory_space<hbm>> -> memref<25600xf32, #tpu.memory_space<hbm>>
    %dma_start3A_96 = arith.constant 0 : i32
    %dma_start3A_97 = tpu.memref_slice %arg8[%dma_start3A_96] : memref<25600xf32, #tpu.memory_space<vmem>> -> memref<25600xf32, #tpu.memory_space<vmem>>
    %dma_start3A_98 = tpu.memref_slice %arg2[%add3A_92] : memref<3276800xf32, #tpu.memory_space<hbm>> -> memref<25600xf32, #tpu.memory_space<hbm>>
    tpu.enqueue_dma source(%dma_start3A_98 : memref<25600xf32, #tpu.memory_space<hbm>>) target(%dma_start3A_97 : memref<25600xf32, #tpu.memory_space<vmem>>) target_semaphore(%arg13 : memref<!tpu.dma_semaphore, #tpu.memory_space<semaphore_mem>>)
    %dma_start3A_99 = arith.constant 0 : i32
    %dma_start3A_100 = tpu.memref_slice %arg10[%dma_start3A_99] : memref<25600xi32, #tpu.memory_space<vmem>> -> memref<25600xi32, #tpu.memory_space<vmem>>
    %dma_start3A_101 = tpu.memref_slice %arg3[%add3A_92] : memref<3276800xi32, #tpu.memory_space<hbm>> -> memref<25600xi32, #tpu.memory_space<hbm>>
    %dma_start3A_102 = arith.constant 0 : i32
    %dma_start3A_103 = tpu.memref_slice %arg10[%dma_start3A_102] : memref<25600xi32, #tpu.memory_space<vmem>> -> memref<25600xi32, #tpu.memory_space<vmem>>
    %dma_start3A_104 = tpu.memref_slice %arg3[%add3A_92] : memref<3276800xi32, #tpu.memory_space<hbm>> -> memref<25600xi32, #tpu.memory_space<hbm>>
    tpu.enqueue_dma source(%dma_start3A_104 : memref<25600xi32, #tpu.memory_space<hbm>>) target(%dma_start3A_103 : memref<25600xi32, #tpu.memory_space<vmem>>) target_semaphore(%arg13 : memref<!tpu.dma_semaphore, #tpu.memory_space<semaphore_mem>>)
    %scan3A_105 = arith.constant 0 : i32
    %scan3A_106 = arith.constant 200 : i32
    %scan3A_107 = arith.addi %scan3A_105, %scan3A_106 : i32
    %scan3A_108 = arith.constant 1 : i32
    %scan3A_109:4 = scf.for %scan3A_133 = %scan3A_105 to %scan3A_107 step %scan3A_108 iter_args(%scan3A_134 = %scan3A_77#0, %scan3A_135 = %scan3A_77#1, %scan3A_136 = %scan3A_77#2, %scan3A_137 = %scan3A_77#3) -> (vector<16xf32>, vector<16xf32>, vector<16xf32>, vector<16xf32>)  : i32 {
      %mul3A_138 = arith.constant 16 : i32
      %mul3A_139 = arith.muli %scan3A_133, %mul3A_138 : i32
      %mul3A_140 = arith.constant 8 : i32
      %mul3A_141 = arith.muli %mul3A_139, %mul3A_140 : i32
      %add3A_142 = arith.constant 0 : i32
      %add3A_143 = arith.addi %mul3A_141, %add3A_142 : i32
      %get3A = arith.index_cast %add3A_143 : i32 to index
      %get3A_144 = tpu.vector_load %arg7[%get3A] {strides = array<i32>} : memref<25600xf32, #tpu.memory_space<vmem>>, vector<16xf32>,
      %get3A_145 = arith.index_cast %add3A_143 : i32 to index
      %get3A_146 = tpu.vector_load %arg9[%get3A_145] {strides = array<i32>} : memref<25600xi32, #tpu.memory_space<vmem>>, vector<16xi32>,
      %gather3A = tpu.vector_load_idx %arg6[%get3A_146] : memref<16384xf32, #tpu.memory_space<vmem>>[vector<16xi32>], vector<16xf32>,
      %mul3A_147 = arith.mulf %get3A_144, %gather3A : vector<16xf32>
      %add3A_148 = arith.addf %scan3A_134, %mul3A_147 : vector<16xf32>
      %mul3A_149 = arith.constant 16 : i32
      %mul3A_150 = arith.muli %scan3A_133, %mul3A_149 : i32
      %mul3A_151 = arith.constant 8 : i32
      %mul3A_152 = arith.muli %mul3A_150, %mul3A_151 : i32
      %add3A_153 = arith.constant 16 : i32
      %add3A_154 = arith.addi %mul3A_152, %add3A_153 : i32
      %get3A_155 = arith.index_cast %add3A_154 : i32 to index
      %get3A_156 = tpu.vector_load %arg7[%get3A_155] {strides = array<i32>} : memref<25600xf32, #tpu.memory_space<vmem>>, vector<16xf32>,
      %get3A_157 = arith.index_cast %add3A_154 : i32 to index
      %get3A_158 = tpu.vector_load %arg9[%get3A_157] {strides = array<i32>} : memref<25600xi32, #tpu.memory_space<vmem>>, vector<16xi32>,
      %gather3A_159 = tpu.vector_load_idx %arg6[%get3A_158] : memref<16384xf32, #tpu.memory_space<vmem>>[vector<16xi32>], vector<16xf32>,
      %mul3A_160 = arith.mulf %get3A_156, %gather3A_159 : vector<16xf32>
      %add3A_161 = arith.addf %scan3A_135, %mul3A_160 : vector<16xf32>
      %mul3A_162 = arith.constant 16 : i32
      %mul3A_163 = arith.muli %scan3A_133, %mul3A_162 : i32
      %mul3A_164 = arith.constant 8 : i32
      %mul3A_165 = arith.muli %mul3A_163, %mul3A_164 : i32
      %add3A_166 = arith.constant 32 : i32
      %add3A_167 = arith.addi %mul3A_165, %add3A_166 : i32
      %get3A_168 = arith.index_cast %add3A_167 : i32 to index
      %get3A_169 = tpu.vector_load %arg7[%get3A_168] {strides = array<i32>} : memref<25600xf32, #tpu.memory_space<vmem>>, vector<16xf32>,
      %get3A_170 = arith.index_cast %add3A_167 : i32 to index
      %get3A_171 = tpu.vector_load %arg9[%get3A_170] {strides = array<i32>} : memref<25600xi32, #tpu.memory_space<vmem>>, vector<16xi32>,
      %gather3A_172 = tpu.vector_load_idx %arg6[%get3A_171] : memref<16384xf32, #tpu.memory_space<vmem>>[vector<16xi32>], vector<16xf32>,
      %mul3A_173 = arith.mulf %get3A_169, %gather3A_172 : vector<16xf32>
      %add3A_174 = arith.addf %scan3A_136, %mul3A_173 : vector<16xf32>
      %mul3A_175 = arith.constant 16 : i32
      %mul3A_176 = arith.muli %scan3A_133, %mul3A_175 : i32
      %mul3A_177 = arith.constant 8 : i32
      %mul3A_178 = arith.muli %mul3A_176, %mul3A_177 : i32
      %add3A_179 = arith.constant 48 : i32
      %add3A_180 = arith.addi %mul3A_178, %add3A_179 : i32
      %get3A_181 = arith.index_cast %add3A_180 : i32 to index
      %get3A_182 = tpu.vector_load %arg7[%get3A_181] {strides = array<i32>} : memref<25600xf32, #tpu.memory_space<vmem>>, vector<16xf32>,
      %get3A_183 = arith.index_cast %add3A_180 : i32 to index
      %get3A_184 = tpu.vector_load %arg9[%get3A_183] {strides = array<i32>} : memref<25600xi32, #tpu.memory_space<vmem>>, vector<16xi32>,
      %gather3A_185 = tpu.vector_load_idx %arg6[%get3A_184] : memref<16384xf32, #tpu.memory_space<vmem>>[vector<16xi32>], vector<16xf32>,
      %mul3A_186 = arith.mulf %get3A_182, %gather3A_185 : vector<16xf32>
      %add3A_187 = arith.addf %scan3A_137, %mul3A_186 : vector<16xf32>
      %mul3A_188 = arith.constant 16 : i32
      %mul3A_189 = arith.muli %scan3A_133, %mul3A_188 : i32
      %mul3A_190 = arith.constant 8 : i32
      %mul3A_191 = arith.muli %mul3A_189, %mul3A_190 : i32
      %add3A_192 = arith.constant 64 : i32
      %add3A_193 = arith.addi %mul3A_191, %add3A_192 : i32
      %get3A_194 = arith.index_cast %add3A_193 : i32 to index
      %get3A_195 = tpu.vector_load %arg7[%get3A_194] {strides = array<i32>} : memref<25600xf32, #tpu.memory_space<vmem>>, vector<16xf32>,
      %get3A_196 = arith.index_cast %add3A_193 : i32 to index
      %get3A_197 = tpu.vector_load %arg9[%get3A_196] {strides = array<i32>} : memref<25600xi32, #tpu.memory_space<vmem>>, vector<16xi32>,
      %gather3A_198 = tpu.vector_load_idx %arg6[%get3A_197] : memref<16384xf32, #tpu.memory_space<vmem>>[vector<16xi32>], vector<16xf32>,
      %mul3A_199 = arith.mulf %get3A_195, %gather3A_198 : vector<16xf32>
      %add3A_200 = arith.addf %add3A_148, %mul3A_199 : vector<16xf32>
      %mul3A_201 = arith.constant 16 : i32
      %mul3A_202 = arith.muli %scan3A_133, %mul3A_201 : i32
      %mul3A_203 = arith.constant 8 : i32
      %mul3A_204 = arith.muli %mul3A_202, %mul3A_203 : i32
      %add3A_205 = arith.constant 80 : i32
      %add3A_206 = arith.addi %mul3A_204, %add3A_205 : i32
      %get3A_207 = arith.index_cast %add3A_206 : i32 to index
      %get3A_208 = tpu.vector_load %arg7[%get3A_207] {strides = array<i32>} : memref<25600xf32, #tpu.memory_space<vmem>>, vector<16xf32>,
      %get3A_209 = arith.index_cast %add3A_206 : i32 to index
      %get3A_210 = tpu.vector_load %arg9[%get3A_209] {strides = array<i32>} : memref<25600xi32, #tpu.memory_space<vmem>>, vector<16xi32>,
      %gather3A_211 = tpu.vector_load_idx %arg6[%get3A_210] : memref<16384xf32, #tpu.memory_space<vmem>>[vector<16xi32>], vector<16xf32>,
      %mul3A_212 = arith.mulf %get3A_208, %gather3A_211 : vector<16xf32>
      %add3A_213 = arith.addf %add3A_161, %mul3A_212 : vector<16xf32>
      %mul3A_214 = arith.constant 16 : i32
      %mul3A_215 = arith.muli %scan3A_133, %mul3A_214 : i32
      %mul3A_216 = arith.constant 8 : i32
      %mul3A_217 = arith.muli %mul3A_215, %mul3A_216 : i32
      %add3A_218 = arith.constant 96 : i32
      %add3A_219 = arith.addi %mul3A_217, %add3A_218 : i32
      %get3A_220 = arith.index_cast %add3A_219 : i32 to index
      %get3A_221 = tpu.vector_load %arg7[%get3A_220] {strides = array<i32>} : memref<25600xf32, #tpu.memory_space<vmem>>, vector<16xf32>,
      %get3A_222 = arith.index_cast %add3A_219 : i32 to index
      %get3A_223 = tpu.vector_load %arg9[%get3A_222] {strides = array<i32>} : memref<25600xi32, #tpu.memory_space<vmem>>, vector<16xi32>,
      %gather3A_224 = tpu.vector_load_idx %arg6[%get3A_223] : memref<16384xf32, #tpu.memory_space<vmem>>[vector<16xi32>], vector<16xf32>,
      %mul3A_225 = arith.mulf %get3A_221, %gather3A_224 : vector<16xf32>
      %add3A_226 = arith.addf %add3A_174, %mul3A_225 : vector<16xf32>
      %mul3A_227 = arith.constant 16 : i32
      %mul3A_228 = arith.muli %scan3A_133, %mul3A_227 : i32
      %mul3A_229 = arith.constant 8 : i32
      %mul3A_230 = arith.muli %mul3A_228, %mul3A_229 : i32
      %add3A_231 = arith.constant 112 : i32
      %add3A_232 = arith.addi %mul3A_230, %add3A_231 : i32
      %get3A_233 = arith.index_cast %add3A_232 : i32 to index
      %get3A_234 = tpu.vector_load %arg7[%get3A_233] {strides = array<i32>} : memref<25600xf32, #tpu.memory_space<vmem>>, vector<16xf32>,
      %get3A_235 = arith.index_cast %add3A_232 : i32 to index
      %get3A_236 = tpu.vector_load %arg9[%get3A_235] {strides = array<i32>} : memref<25600xi32, #tpu.memory_space<vmem>>, vector<16xi32>,
      %gather3A_237 = tpu.vector_load_idx %arg6[%get3A_236] : memref<16384xf32, #tpu.memory_space<vmem>>[vector<16xi32>], vector<16xf32>,
      %mul3A_238 = arith.mulf %get3A_234, %gather3A_237 : vector<16xf32>
      %add3A_239 = arith.addf %add3A_187, %mul3A_238 : vector<16xf32>
      scf.yield %add3A_200, %add3A_213, %add3A_226, %add3A_239 : vector<16xf32>, vector<16xf32>, vector<16xf32>, vector<16xf32>
    }
    %scan3A_110 = arith.constant 200 : i32
    %dma_wait3A_111 = arith.constant 0 : i32
    %dma_wait3A_112 = tpu.memref_slice %arg8[%dma_wait3A_111] : memref<25600xf32, #tpu.memory_space<vmem>> -> memref<25600xf32, #tpu.memory_space<vmem>>
    %dma_wait3A_113 = tpu.memref_slice %arg2[%add3A_92] : memref<3276800xf32, #tpu.memory_space<hbm>> -> memref<25600xf32, #tpu.memory_space<hbm>>
    %dma_wait3A_114 = arith.constant 0 : i32
    %dma_wait3A_115 = tpu.memref_slice %arg8[%dma_wait3A_114] : memref<25600xf32, #tpu.memory_space<vmem>> -> memref<25600xf32, #tpu.memory_space<vmem>>
    %dma_wait3A_116 = tpu.memref_slice %arg2[%add3A_92] : memref<3276800xf32, #tpu.memory_space<hbm>> -> memref<25600xf32, #tpu.memory_space<hbm>>
    tpu.wait_dma2 semaphore(%arg13 : memref<!tpu.dma_semaphore, #tpu.memory_space<semaphore_mem>>) src(%dma_wait3A_116 : memref<25600xf32, #tpu.memory_space<hbm>>) dst(%dma_wait3A_115 : memref<25600xf32, #tpu.memory_space<vmem>>)
    %dma_wait3A_117 = arith.constant 0 : i32
    %dma_wait3A_118 = tpu.memref_slice %arg10[%dma_wait3A_117] : memref<25600xi32, #tpu.memory_space<vmem>> -> memref<25600xi32, #tpu.memory_space<vmem>>
    %dma_wait3A_119 = tpu.memref_slice %arg3[%add3A_92] : memref<3276800xi32, #tpu.memory_space<hbm>> -> memref<25600xi32, #tpu.memory_space<hbm>>
    %dma_wait3A_120 = arith.constant 0 : i32
    %dma_wait3A_121 = tpu.memref_slice %arg10[%dma_wait3A_120] : memref<25600xi32, #tpu.memory_space<vmem>> -> memref<25600xi32, #tpu.memory_space<vmem>>
    %dma_wait3A_122 = tpu.memref_slice %arg3[%add3A_92] : memref<3276800xi32, #tpu.memory_space<hbm>> -> memref<25600xi32, #tpu.memory_space<hbm>>
    tpu.wait_dma2 semaphore(%arg13 : memref<!tpu.dma_semaphore, #tpu.memory_space<semaphore_mem>>) src(%dma_wait3A_122 : memref<25600xi32, #tpu.memory_space<hbm>>) dst(%dma_wait3A_121 : memref<25600xi32, #tpu.memory_space<vmem>>)
    %scan3A_123 = arith.constant 0 : i32
    %scan3A_124 = arith.constant 200 : i32
    %scan3A_125 = arith.addi %scan3A_123, %scan3A_124 : i32
    %scan3A_126 = arith.constant 1 : i32
    %scan3A_127:4 = scf.for %scan3A_133 = %scan3A_123 to %scan3A_125 step %scan3A_126 iter_args(%scan3A_134 = %scan3A_109#0, %scan3A_135 = %scan3A_109#1, %scan3A_136 = %scan3A_109#2, %scan3A_137 = %scan3A_109#3) -> (vector<16xf32>, vector<16xf32>, vector<16xf32>, vector<16xf32>)  : i32 {
      %mul3A_138 = arith.constant 16 : i32
      %mul3A_139 = arith.muli %scan3A_133, %mul3A_138 : i32
      %mul3A_140 = arith.constant 8 : i32
      %mul3A_141 = arith.muli %mul3A_139, %mul3A_140 : i32
      %add3A_142 = arith.constant 0 : i32
      %add3A_143 = arith.addi %mul3A_141, %add3A_142 : i32
      %get3A = arith.index_cast %add3A_143 : i32 to index
      %get3A_144 = tpu.vector_load %arg8[%get3A] {strides = array<i32>} : memref<25600xf32, #tpu.memory_space<vmem>>, vector<16xf32>,
      %get3A_145 = arith.index_cast %add3A_143 : i32 to index
      %get3A_146 = tpu.vector_load %arg10[%get3A_145] {strides = array<i32>} : memref<25600xi32, #tpu.memory_space<vmem>>, vector<16xi32>,
      %gather3A = tpu.vector_load_idx %arg6[%get3A_146] : memref<16384xf32, #tpu.memory_space<vmem>>[vector<16xi32>], vector<16xf32>,
      %mul3A_147 = arith.mulf %get3A_144, %gather3A : vector<16xf32>
      %add3A_148 = arith.addf %scan3A_134, %mul3A_147 : vector<16xf32>
      %mul3A_149 = arith.constant 16 : i32
      %mul3A_150 = arith.muli %scan3A_133, %mul3A_149 : i32
      %mul3A_151 = arith.constant 8 : i32
      %mul3A_152 = arith.muli %mul3A_150, %mul3A_151 : i32
      %add3A_153 = arith.constant 16 : i32
      %add3A_154 = arith.addi %mul3A_152, %add3A_153 : i32
      %get3A_155 = arith.index_cast %add3A_154 : i32 to index
      %get3A_156 = tpu.vector_load %arg8[%get3A_155] {strides = array<i32>} : memref<25600xf32, #tpu.memory_space<vmem>>, vector<16xf32>,
      %get3A_157 = arith.index_cast %add3A_154 : i32 to index
      %get3A_158 = tpu.vector_load %arg10[%get3A_157] {strides = array<i32>} : memref<25600xi32, #tpu.memory_space<vmem>>, vector<16xi32>,
      %gather3A_159 = tpu.vector_load_idx %arg6[%get3A_158] : memref<16384xf32, #tpu.memory_space<vmem>>[vector<16xi32>], vector<16xf32>,
      %mul3A_160 = arith.mulf %get3A_156, %gather3A_159 : vector<16xf32>
      %add3A_161 = arith.addf %scan3A_135, %mul3A_160 : vector<16xf32>
      %mul3A_162 = arith.constant 16 : i32
      %mul3A_163 = arith.muli %scan3A_133, %mul3A_162 : i32
      %mul3A_164 = arith.constant 8 : i32
      %mul3A_165 = arith.muli %mul3A_163, %mul3A_164 : i32
      %add3A_166 = arith.constant 32 : i32
      %add3A_167 = arith.addi %mul3A_165, %add3A_166 : i32
      %get3A_168 = arith.index_cast %add3A_167 : i32 to index
      %get3A_169 = tpu.vector_load %arg8[%get3A_168] {strides = array<i32>} : memref<25600xf32, #tpu.memory_space<vmem>>, vector<16xf32>,
      %get3A_170 = arith.index_cast %add3A_167 : i32 to index
      %get3A_171 = tpu.vector_load %arg10[%get3A_170] {strides = array<i32>} : memref<25600xi32, #tpu.memory_space<vmem>>, vector<16xi32>,
      %gather3A_172 = tpu.vector_load_idx %arg6[%get3A_171] : memref<16384xf32, #tpu.memory_space<vmem>>[vector<16xi32>], vector<16xf32>,
      %mul3A_173 = arith.mulf %get3A_169, %gather3A_172 : vector<16xf32>
      %add3A_174 = arith.addf %scan3A_136, %mul3A_173 : vector<16xf32>
      %mul3A_175 = arith.constant 16 : i32
      %mul3A_176 = arith.muli %scan3A_133, %mul3A_175 : i32
      %mul3A_177 = arith.constant 8 : i32
      %mul3A_178 = arith.muli %mul3A_176, %mul3A_177 : i32
      %add3A_179 = arith.constant 48 : i32
      %add3A_180 = arith.addi %mul3A_178, %add3A_179 : i32
      %get3A_181 = arith.index_cast %add3A_180 : i32 to index
      %get3A_182 = tpu.vector_load %arg8[%get3A_181] {strides = array<i32>} : memref<25600xf32, #tpu.memory_space<vmem>>, vector<16xf32>,
      %get3A_183 = arith.index_cast %add3A_180 : i32 to index
      %get3A_184 = tpu.vector_load %arg10[%get3A_183] {strides = array<i32>} : memref<25600xi32, #tpu.memory_space<vmem>>, vector<16xi32>,
      %gather3A_185 = tpu.vector_load_idx %arg6[%get3A_184] : memref<16384xf32, #tpu.memory_space<vmem>>[vector<16xi32>], vector<16xf32>,
      %mul3A_186 = arith.mulf %get3A_182, %gather3A_185 : vector<16xf32>
      %add3A_187 = arith.addf %scan3A_137, %mul3A_186 : vector<16xf32>
      %mul3A_188 = arith.constant 16 : i32
      %mul3A_189 = arith.muli %scan3A_133, %mul3A_188 : i32
      %mul3A_190 = arith.constant 8 : i32
      %mul3A_191 = arith.muli %mul3A_189, %mul3A_190 : i32
      %add3A_192 = arith.constant 64 : i32
      %add3A_193 = arith.addi %mul3A_191, %add3A_192 : i32
      %get3A_194 = arith.index_cast %add3A_193 : i32 to index
      %get3A_195 = tpu.vector_load %arg8[%get3A_194] {strides = array<i32>} : memref<25600xf32, #tpu.memory_space<vmem>>, vector<16xf32>,
      %get3A_196 = arith.index_cast %add3A_193 : i32 to index
      %get3A_197 = tpu.vector_load %arg10[%get3A_196] {strides = array<i32>} : memref<25600xi32, #tpu.memory_space<vmem>>, vector<16xi32>,
      %gather3A_198 = tpu.vector_load_idx %arg6[%get3A_197] : memref<16384xf32, #tpu.memory_space<vmem>>[vector<16xi32>], vector<16xf32>,
      %mul3A_199 = arith.mulf %get3A_195, %gather3A_198 : vector<16xf32>
      %add3A_200 = arith.addf %add3A_148, %mul3A_199 : vector<16xf32>
      %mul3A_201 = arith.constant 16 : i32
      %mul3A_202 = arith.muli %scan3A_133, %mul3A_201 : i32
      %mul3A_203 = arith.constant 8 : i32
      %mul3A_204 = arith.muli %mul3A_202, %mul3A_203 : i32
      %add3A_205 = arith.constant 80 : i32
      %add3A_206 = arith.addi %mul3A_204, %add3A_205 : i32
      %get3A_207 = arith.index_cast %add3A_206 : i32 to index
      %get3A_208 = tpu.vector_load %arg8[%get3A_207] {strides = array<i32>} : memref<25600xf32, #tpu.memory_space<vmem>>, vector<16xf32>,
      %get3A_209 = arith.index_cast %add3A_206 : i32 to index
      %get3A_210 = tpu.vector_load %arg10[%get3A_209] {strides = array<i32>} : memref<25600xi32, #tpu.memory_space<vmem>>, vector<16xi32>,
      %gather3A_211 = tpu.vector_load_idx %arg6[%get3A_210] : memref<16384xf32, #tpu.memory_space<vmem>>[vector<16xi32>], vector<16xf32>,
      %mul3A_212 = arith.mulf %get3A_208, %gather3A_211 : vector<16xf32>
      %add3A_213 = arith.addf %add3A_161, %mul3A_212 : vector<16xf32>
      %mul3A_214 = arith.constant 16 : i32
      %mul3A_215 = arith.muli %scan3A_133, %mul3A_214 : i32
      %mul3A_216 = arith.constant 8 : i32
      %mul3A_217 = arith.muli %mul3A_215, %mul3A_216 : i32
      %add3A_218 = arith.constant 96 : i32
      %add3A_219 = arith.addi %mul3A_217, %add3A_218 : i32
      %get3A_220 = arith.index_cast %add3A_219 : i32 to index
      %get3A_221 = tpu.vector_load %arg8[%get3A_220] {strides = array<i32>} : memref<25600xf32, #tpu.memory_space<vmem>>, vector<16xf32>,
      %get3A_222 = arith.index_cast %add3A_219 : i32 to index
      %get3A_223 = tpu.vector_load %arg10[%get3A_222] {strides = array<i32>} : memref<25600xi32, #tpu.memory_space<vmem>>, vector<16xi32>,
      %gather3A_224 = tpu.vector_load_idx %arg6[%get3A_223] : memref<16384xf32, #tpu.memory_space<vmem>>[vector<16xi32>], vector<16xf32>,
      %mul3A_225 = arith.mulf %get3A_221, %gather3A_224 : vector<16xf32>
      %add3A_226 = arith.addf %add3A_174, %mul3A_225 : vector<16xf32>
      %mul3A_227 = arith.constant 16 : i32
      %mul3A_228 = arith.muli %scan3A_133, %mul3A_227 : i32
      %mul3A_229 = arith.constant 8 : i32
      %mul3A_230 = arith.muli %mul3A_228, %mul3A_229 : i32
      %add3A_231 = arith.constant 112 : i32
      %add3A_232 = arith.addi %mul3A_230, %add3A_231 : i32
      %get3A_233 = arith.index_cast %add3A_232 : i32 to index
      %get3A_234 = tpu.vector_load %arg8[%get3A_233] {strides = array<i32>} : memref<25600xf32, #tpu.memory_space<vmem>>, vector<16xf32>,
      %get3A_235 = arith.index_cast %add3A_232 : i32 to index
      %get3A_236 = tpu.vector_load %arg10[%get3A_235] {strides = array<i32>} : memref<25600xi32, #tpu.memory_space<vmem>>, vector<16xi32>,
      %gather3A_237 = tpu.vector_load_idx %arg6[%get3A_236] : memref<16384xf32, #tpu.memory_space<vmem>>[vector<16xi32>], vector<16xf32>,
      %mul3A_238 = arith.mulf %get3A_234, %gather3A_237 : vector<16xf32>
      %add3A_239 = arith.addf %add3A_187, %mul3A_238 : vector<16xf32>
      scf.yield %add3A_200, %add3A_213, %add3A_226, %add3A_239 : vector<16xf32>, vector<16xf32>, vector<16xf32>, vector<16xf32>
    }
    %scan3A_128 = arith.constant 200 : i32
    %add3A_129 = arith.addf %scan3A_127#0, %scan3A_127#1 : vector<16xf32>
    %add3A_130 = arith.addf %scan3A_127#2, %scan3A_127#3 : vector<16xf32>
    %add3A_131 = arith.addf %add3A_129, %add3A_130 : vector<16xf32>
    %swap3A = arith.constant 0 : index
    %swap3A_132 = tpu.vector_load %arg11[%swap3A] {strides = array<i32>} : memref<16xf32, #tpu.memory_space<vmem>>, vector<16xf32>,
    tpu.vector_store %arg11[%swap3A], %add3A_131 {strides = array<i32>} : memref<16xf32, #tpu.memory_space<vmem>>, vector<16xf32>,
    "tpu.region"() ({
      %run_scoped3A = tpu.sem_alloc : memref<!tpu.dma_semaphore, #tpu.memory_space<semaphore_mem>>
      %dma_start3A_133 = arith.constant 0 : i32
      %dma_start3A_134 = tpu.memref_slice %arg5[%add3A, %dma_start3A_133] : memref<32x16xf32, #tpu.memory_space<hbm>> -> memref<1x16xf32, #tpu.memory_space<hbm>>
      %dma_start3A_135 = tpu.memref_squeeze %dma_start3A_134 : memref<1x16xf32, #tpu.memory_space<hbm>> -> memref<16xf32, #tpu.memory_space<hbm>>
      %dma_start3A_136 = arith.constant 0 : i32
      %dma_start3A_137 = tpu.memref_slice %arg5[%add3A, %dma_start3A_136] : memref<32x16xf32, #tpu.memory_space<hbm>> -> memref<1x16xf32, #tpu.memory_space<hbm>>
      %dma_start3A_138 = tpu.memref_squeeze %dma_start3A_137 : memref<1x16xf32, #tpu.memory_space<hbm>> -> memref<16xf32, #tpu.memory_space<hbm>>
      tpu.enqueue_dma source(%arg11 : memref<16xf32, #tpu.memory_space<vmem>>) target(%dma_start3A_138 : memref<16xf32, #tpu.memory_space<hbm>>) target_semaphore(%run_scoped3A : memref<!tpu.dma_semaphore, #tpu.memory_space<semaphore_mem>>)
      %dma_wait3A_139 = arith.constant 0 : i32
      %dma_wait3A_140 = tpu.memref_slice %arg5[%add3A, %dma_wait3A_139] : memref<32x16xf32, #tpu.memory_space<hbm>> -> memref<1x16xf32, #tpu.memory_space<hbm>>
      %dma_wait3A_141 = tpu.memref_squeeze %dma_wait3A_140 : memref<1x16xf32, #tpu.memory_space<hbm>> -> memref<16xf32, #tpu.memory_space<hbm>>
      %dma_wait3A_142 = arith.constant 0 : i32
      %dma_wait3A_143 = tpu.memref_slice %arg5[%add3A, %dma_wait3A_142] : memref<32x16xf32, #tpu.memory_space<hbm>> -> memref<1x16xf32, #tpu.memory_space<hbm>>
      %dma_wait3A_144 = tpu.memref_squeeze %dma_wait3A_143 : memref<1x16xf32, #tpu.memory_space<hbm>> -> memref<16xf32, #tpu.memory_space<hbm>>
      tpu.wait_dma2 semaphore(%run_scoped3A : memref<!tpu.dma_semaphore, #tpu.memory_space<semaphore_mem>>) src(%arg11 : memref<16xf32, #tpu.memory_space<vmem>>) dst(%dma_wait3A_144 : memref<16xf32, #tpu.memory_space<hbm>>)
      tpu.yield
    }) : () -> ()
    return
  }
}

module attributes {stable_mosaic.version = 14 : i64} {
  func.func @_tc_dense_body(%arg0: i32, %arg1: memref<409600xf32, #tpu.memory_space<vmem>>, %arg2: memref<1x128xf32, #tpu.memory_space<vmem>>) attributes {dimension_semantics = [#tpu.dimension_semantics<arbitrary>], iteration_bounds = array<i64: 8>, scalar_prefetch = 0 : i64, scratch_operands = 0 : i64, tpu.core_type = #tpu.core_type<tc>, window_params = [{transform_indices = @transform_0, window_bounds = array<i64: 409600>}, {pipeline_mode = #tpu.pipeline_mode<synchronous>, transform_indices = @transform_1, window_bounds = array<i64: 1, 128>}]} {
    %get3A = arith.constant 0 : index
    %get3A_0 = vector.load %arg1[%get3A] : memref<409600xf32, #tpu.memory_space<vmem>>, vector<409600xf32>
    %reshape3A = vector.shape_cast %get3A_0 : vector<409600xf32> to vector<3200x128xf32>
    %max3A = arith.constant 0.000000e+00 : f32
    %max3A_1 = vector.broadcast %max3A : f32 to vector<3200x128xf32>
    %max3A_2 = arith.maximumf %reshape3A, %max3A_1 : vector<3200x128xf32>
    %abs3A = math.absf %reshape3A : vector<3200x128xf32>
    %neg3A = arith.constant 0.000000e+00 : f32
    %neg3A_3 = vector.broadcast %neg3A : f32 to vector<3200x128xf32>
    %neg3A_4 = arith.subf %neg3A_3, %abs3A : vector<3200x128xf32>
    %exp3A = math.exp %neg3A_4 : vector<3200x128xf32>
    %log1p3A = math.log1p %exp3A : vector<3200x128xf32>
    %add3A = arith.addf %max3A_2, %log1p3A : vector<3200x128xf32>
    %reduce_sum3A = arith.constant dense<0.000000e+00> : vector<128xf32>
    %reduce_sum3A_5 = vector.multi_reduction <add>, %add3A, %reduce_sum3A [0] : vector<3200x128xf32> to vector<128xf32>
    %broadcast_in_dim3A = vector.shape_cast %reduce_sum3A_5 : vector<128xf32> to vector<1x128xf32>
    %eq3A = arith.constant 0 : i32
    %eq3A_6 = arith.cmpi eq, %arg0, %eq3A : i32
    %convert_element_type3A = arith.extui %eq3A_6 : i1 to i32
    %cond3A = arith.constant 0 : i32
    %cond3A_7 = arith.cmpi ne, %convert_element_type3A, %cond3A : i32
    scf.if %cond3A_7 {
      %swap3A = arith.constant 0 : index
      %swap3A_12 = arith.constant 0 : index
      %swap3A_13 = vector.load %arg2[%swap3A, %swap3A_12] : memref<1x128xf32, #tpu.memory_space<vmem>>, vector<1x128xf32>
      tpu.vector_store %arg2[%swap3A, %swap3A_12], %broadcast_in_dim3A {strides = array<i32>} : memref<1x128xf32, #tpu.memory_space<vmem>>, vector<1x128xf32>,
    } else {
    }
    %ne3A = arith.constant 0 : i32
    %ne3A_8 = arith.cmpi ne, %arg0, %ne3A : i32
    %convert_element_type3A_9 = arith.extui %ne3A_8 : i1 to i32
    %cond3A_10 = arith.constant 0 : i32
    %cond3A_11 = arith.cmpi ne, %convert_element_type3A_9, %cond3A_10 : i32
    scf.if %cond3A_11 {
      %get3A_12 = arith.constant 0 : index
      %get3A_13 = arith.constant 0 : index
      %get3A_14 = vector.load %arg2[%get3A_12, %get3A_13] : memref<1x128xf32, #tpu.memory_space<vmem>>, vector<1x128xf32>
      %add3A_15 = arith.addf %get3A_14, %broadcast_in_dim3A : vector<1x128xf32>
      %swap3A = arith.constant 0 : index
      %swap3A_16 = arith.constant 0 : index
      %swap3A_17 = vector.load %arg2[%swap3A, %swap3A_16] : memref<1x128xf32, #tpu.memory_space<vmem>>, vector<1x128xf32>
      tpu.vector_store %arg2[%swap3A, %swap3A_16], %add3A_15 {strides = array<i32>} : memref<1x128xf32, #tpu.memory_space<vmem>>, vector<1x128xf32>,
    } else {
    }
    return
  }
  func.func @transform_0(%arg0: i32) -> i32 {
    %c0_i32 = arith.constant 0 : i32
    return %arg0 : i32
  }
  func.func @transform_1(%arg0: i32) -> (i32, i32) {
    %c0_i32 = arith.constant 0 : i32
    %c0_i32_0 = arith.constant 0 : i32
    %c0_i32_1 = arith.constant 0 : i32
    return %c0_i32, %c0_i32_0 : i32, i32
  }
}

</mosaic_0001>

<sc_bundles>
// kernel: kernel.4.cloned.1.call-start
scs
__scs_entry_jumppad:
0x0: {  	(pc) =	sbr.rel $0x88, $3  }
0x1: {  	(tag) =	ssettag $0x0;
	lr =	simm.s32 $0x1  }
0x2: {  	[smem:$0x3F9E] =	sst lr;
	_ =	strace $0xD0000000  }
0x3: {  	_ = 	snop  }
0x4: {  	_ = 	snop  }
0x5: {  	_ = 	snop  }
0x6: {  	_ = 	snop  }
0x7: {  	_ = 	snop  }
__scs_overlays_trampoline_lowered:
0x8: {  	[smem:$0x3FAD] =	sst s0  }
0x9: {  	[smem:$0x3FAE] =	sst s1  }
0xa: {  	[smem:$0x3FAF] =	sst s2  }
0xb: {  	[smem:$0x3FB0] =	sst s3  }
0xc: {  	[smem:$0x3FB1] =	sst s4  }
0xd: {  	[smem:$0x3FB2] =	sst s5  }
0xe: {  	[smem:$0x3FB3] =	sst s6  }
0xf: {  	[smem:$0x3FB4] =	sst s7  }
0x10: {  	[smem:$0x3FB5] =	sst s8  }
0x11: {  	[smem:$0x3FB6] =	sst s9;
	s0 =	simm.s32 @!p0 $0x0  }
0x12: {  	s1 =	sld [smem:$0x3F9C];
	s0 =	simm.s32 @p0 $0x1  }
0x13: {  	[smem:$0x3FB7] =	sst s0;
	s0 =	simm.s32 @!p1 $0x0  }
0x14: {  	s2 =	sld [smem:$0x3F9B];
	s0 =	simm.s32 @p1 $0x1  }
0x15: {  	[smem:$0x3FB8] =	sst s0;
	s0 =	simm.s32 @!p2 $0x0  }
0x16: {  	s3 =	sld [smem:$0x3FDB];
	s0 =	simm.s32 @p2 $0x1  }
0x17: {  	s4 =	simm.s32 $0x1BF5;
	[smem:$0x3FBA] =	sst s0  }
0x18: {  	s0 =	sld [smem:$0x3F9D];
	_ =	swait.ge [sflag:s4], $0x0  }
0x19: {  	s7 =	sld [smem:$0x3F9E]  }
0x1a: {  	s8 =	sadd.s32 $0xFFFFE003, lr  }
0x1b: {  	s9 =	sadd.s32 $0xFFFFFEF7, lr;
	s5 =	simm.s32 $0xFFFFFFFF;
	p2 =	slt.u32 s8, $0xFFFFF086  }
0x1c: {  	p1 =	slt.u32 s9, $0xF7A;
	s5 =	simm.s32 @!p2 $0x0  }
0x1d: {  	s5 =	simm.s32 @p1 $0x1;
	p0 =	seq.s32 s7, s2  }
0x1e: {  	s7 =	smul.u32 @!p0 $0xF7A, s2;
	p2 =	seq.s32 @!p0 s5, $0x0  }
0x1f: {  	s9 =	smul.u32 $0xF7A, s1;
	s8 =	simm.s32 @!p0 $0x1BF5;
	p2 =	por !p2, p0  }
0x20: {  	[sflag:s8] =	ssyncset.s32 @!p0 $0xFFFFF086;
	s6 =	sadd.s32 @!p0 s3, s7;
	s7 =	simm.s32 @!p0 $0x108  }
0x21: {  	s3 =	sadd.s32 s3, s9;
	s6 =	sadd.s32 @!p0 $0x88, s6;
	s7 =	simm.s32 @p2 $0x1082  }
0x22: {  	[simem:s7], [sflag:s8] =	dma.local @!p0 [hbm:s6], $0xF7A  }
0x23: {  	s9 =	sor.u32 $0xD0000000, s2;
	s6 =	simm.s32 $0x108;
	_ =	swait.ge @!p0 [sflag:s8], $0x0  }
0x24: {  	s3 =	sadd.s32 $0x88, s3;
	s6 =	simm.s32 @!p1 $0x1082;
	[sflag:s4] =	ssyncset.s32 $0xFFFFF086  }
0x25: {  	[simem:s6], [sflag:s4] =	dma.local [hbm:s3], $0xF7A  }
0x26: {  	[smem:$0x3F9E] =	sst s1;
	(tag) =	ssettag s2;
	_ =	strace s9  }
0x27: {  	s1 =	sld [smem:$0x3FAE]  }
0x28: {  	s2 =	sld [smem:$0x3FAF]  }
0x29: {  	s4 =	sld [smem:$0x3FB1]  }
0x2a: {  	p0 =	seq.s32 s5, $0x0;
	s5 =	sld [smem:$0x3FB2]  }
0x2b: {  	s6 =	sld [smem:$0x3FB3]  }
0x2c: {  	s7 =	sld [smem:$0x3FB4]  }
0x2d: {  	s3 =	simm.s32 $0x108;
	s8 =	sld [smem:$0x3FB5]  }
0x2e: {  	s3 =	simm.s32 @!p0 $0x1082;
	s9 =	sld [smem:$0x3FB6]  }
0x2f: {  	lr =	sadd.s32 s0, s3;
	s0 =	sld [smem:$0x3FAD]  }
0x30: {  	s3 =	sld [smem:$0x3FB0]  }
0x31: {  	[smem:$0x3FB9] =	sst s10  }
0x32: {  	s10 =	sld [smem:$0x3FB7];
	_ =	sdelay $0x3  }
0x33: {  	p0 =	seq.s32 s10, $0x1;
	s10 =	sld [smem:$0x3FB9];
	_ =	sdelay $0x3  }
0x34: {  	[smem:$0x3FB9] =	sst s10  }
0x35: {  	s10 =	sld [smem:$0x3FB8];
	_ =	sdelay $0x3  }
0x36: {  	p1 =	seq.s32 s10, $0x1;
	s10 =	sld [smem:$0x3FB9];
	_ =	sdelay $0x3  }
0x37: {  	[smem:$0x3FB9] =	sst s10  }
0x38: {  	s10 =	sld [smem:$0x3FBA]  }
0x39: {  	_ = 	snop;
	(pc) =	sbr.ind lr, $3  }
0x3a: {  	_ = 	snop  }
0x3b: {  	_ = 	snop  }
0x3c: {  	p2 =	seq.s32 s10, $0x1;
	s10 =	sld [smem:$0x3FB9]  }
0x3d: {  	_ =	shalt  }
0x3e: {  	_ =	shalt  }
0x3f: {  	_ =	shalt  }
0x40: {  	_ =	shalt  }
0x41: {  	_ =	shalt  }
0x42: {  	_ =	shalt  }
0x43: {  	_ =	shalt  }
0x44: {  	_ =	shalt  }
0x45: {  	_ =	shalt  }
0x46: {  	_ =	shalt  }
0x47: {  	_ =	shalt  }
0x48: {  	_ =	shalt  }
0x49: {  	_ =	shalt  }
0x4a: {  	_ =	shalt  }
0x4b: {  	_ =	shalt  }
0x4c: {  	_ =	shalt  }
0x4d: {  	_ =	shalt  }
0x4e: {  	_ =	shalt  }
0x4f: {  	_ =	shalt  }
0x50: {  	_ =	shalt  }
0x51: {  	_ =	shalt  }
0x52: {  	_ =	shalt  }
0x53: {  	_ =	shalt  }
0x54: {  	_ =	shalt  }
0x55: {  	_ =	shalt  }
0x56: {  	_ =	shalt  }
0x57: {  	_ =	shalt  }
0x58: {  	_ =	shalt  }
0x59: {  	_ =	shalt  }
0x5a: {  	_ =	shalt  }
0x5b: {  	_ =	shalt  }
0x5c: {  	_ =	shalt  }
0x5d: {  	_ =	shalt  }
0x5e: {  	_ =	shalt  }
0x5f: {  	_ =	shalt  }
0x60: {  	_ =	shalt  }
0x61: {  	_ =	shalt  }
0x62: {  	_ =	shalt  }
0x63: {  	_ =	shalt  }
0x64: {  	_ =	shalt  }
0x65: {  	_ =	shalt  }
0x66: {  	_ =	shalt  }
0x67: {  	_ =	shalt  }
0x68: {  	_ =	shalt  }
0x69: {  	_ =	shalt  }
0x6a: {  	_ =	shalt  }
0x6b: {  	_ =	shalt  }
0x6c: {  	_ =	shalt  }
0x6d: {  	_ =	shalt  }
0x6e: {  	_ =	shalt  }
0x6f: {  	_ =	shalt  }
0x70: {  	_ =	shalt  }
0x71: {  	_ =	shalt  }
0x72: {  	_ =	shalt  }
0x73: {  	_ =	shalt  }
0x74: {  	_ =	shalt  }
0x75: {  	_ =	shalt  }
0x76: {  	_ =	shalt  }
0x77: {  	_ =	shalt  }
0x78: {  	_ =	shalt  }
0x79: {  	_ =	shalt  }
0x7a: {  	_ =	shalt  }
0x7b: {  	_ =	shalt  }
0x7c: {  	_ =	shalt  }
0x7d: {  	_ =	shalt  }
0x7e: {  	_ =	shalt  }
0x7f: {  	_ =	shalt  }
0x80: {  	_ =	shalt  }
0x81: {  	_ =	shalt  }
0x82: {  	_ =	shalt  }
0x83: {  	_ =	shalt  }
0x84: {  	_ =	shalt  }
0x85: {  	_ =	shalt  }
0x86: {  	_ =	shalt  }
0x87: {  	_ =	shalt  }
.Lfunc_end0:
.L_simem_size_0:
called_computation_lowered:
.L_overlay_start_0:
0x88: {  	s2 =	sld [smem:$0x3FD9]  }
0x89: {  	s3 =	sld [smem:$0x3FFE];
	_ =	sdelay $0x1  }
0x8a: {  	s1 =	srdreg.scid  }
0x8b: {  	s0 =	sand.u32 $0x1, s1  }
0x8c: {  	s17 =	sshll.u32 s0, $0xA;
	s2 =	sadd.s32 s3, s2  }
0x8d: {  	s2 =	sadd.s32 s2, s17  }
0x8e: {  	[smem:$0x3FC5] =	sst s2  }
0x8f: {  	_ = 	snop  }
0x90: {  	s2 =	sld [smem:$0x3FC9]  }
0x91: {  	s18 =	sld [smem:$0x3FC8]  }
0x92: {  	s4 =	sld [smem:$0x3FC7];
	(tm) =	ssettm $0x1  }
0x93: {  	s5 =	sld [smem:$0x3FFB];
	_ =	sdelay $0x3  }
0x94: {  	_ =	strace s5  }
0x95: {  	s5 =	sld [smem:$0x3FFC];
	_ =	sdelay $0x3  }
0x96: {  	_ =	strace s5  }
0x97: {  	s5 =	sld [smem:$0x3FFD];
	_ =	sdelay $0x3  }
0x98: {  	_ =	strace s5  }
0x99: {  	_ =	strace $0x8FFFFFFF  }
0x9a: {  	s19 =	sld [smem:$0x3FDB];
	_ =	sdelay $0x1  }
0x9b: {  	s6 =	simm.s32 $_scs_section_size  }
0x9c: {  	s7 =	simm.s32 $_size__tile_overlayer_lowered;
	s8 =	simm.s32 $_tile_overlayer_lowered  }
0x9d: {  	s22 =	simm.s32 $0x1BFF;
	s21 =	sshll.u32 s8, $0x1;
	s5 =	sadd.s32 s6, s19  }
0x9e: {  	s9 =	simm.s32 $0x0;
	s20 =	sshll.u32 s7, $0x1;
	s7 =	sadd.s32 s21, s5  }
0x9f: {  	[timem:s9], [sflag:s22] =	dma.local [hbm:s7], s20  }
0xa0: {  	_ =	swait.ge [sflag:s22], s20  }
0xa1: {  	s6 =	ssub.s32 $0x0, s20;
	[sflag:s22] =	ssyncset.done $0x0  }
0xa2: {  	[sflag:s22] =	ssyncadd.s32 s6;
	_ =	sdelay $0x1  }
0xa3: {  	s23 =	simm.s32 $0x1B8B  }
0xa4: {  	_ =	swait.ge [sflag:s23], $0x1  }
0xa5: {  	[sflag:s23] =	ssyncset.done $0x0  }
0xa6: {  	s25 =	simm.s32 $0x1B8E;
	s24 =	sld [smem:$0x3FFE];
	[sflag:s23] =	ssyncadd.s32 $0xFFFFFFFF  }
0xa7: {  	s26 =	simm.s32 $execute0_lowered;
	[smem:$0x3FD2] =	sst s25  }
0xa8: {  	s7 =	sshll.u32 s26, $0x1;
	_ =	strace $0x80000046;
	[dreg:$0x1] =	wrdreg $0xFFFFFFFF  }
0xa9: {  	s28 =	simm.s32 $_size_execute0_lowered;
	s5 =	sadd.s32 s5, s7;
	[dreg:$0x0] =	wrdreg $0x0  }
0xaa: {  	s7 =	sshll.u32 s28, $0x1;
	[dreg:$0x2] =	wrdreg s5  }
0xab: {  	[dreg:$0x3] =	wrdreg s7  }
0xac: {  	[dreg:$0x4] =	wrdreg $0xC0  }
0xad: {  	_ =	task [dreg:s9], $0x5FFFF  }
0xae: {  	[dreg:$0x1] =	wrdreg $0xFFFFFFFF  }
0xaf: {  	[dreg:$0x0] =	wrdreg $0x60  }
0xb0: {  	[dreg:$0x2] =	wrdreg s2  }
0xb1: {  	[dreg:$0x3] =	wrdreg s18  }
0xb2: {  	[dreg:$0x4] =	wrdreg s4  }
0xb3: {  	[dreg:$0x5] =	wrdreg s24  }
0xb4: {  	[dreg:$0x6] =	wrdreg $0x9  }
0xb5: {  	_ =	task.clear_ibuf [dreg:s9], $0x7FFFF;
	_ =	strace $0x90000046  }
0xb6: {  	s29 =	simm.s32 $0x9;
	_ =	strace $0x80000048  }
0xb7: {  	_ =	swait.ge [sflag:s29], $0x1  }
0xb8: {  	[sflag:s29] =	ssyncadd.s32 $0xFFFFFFFF  }
0xb9: {  	_ =	strace $0x90000048  }
0xba: {  	_ =	sfence  }
0xbb: {  	s30 =	sld [smem:$0x0];
	_ =	sdelay $0x2  }
0xbc: {  	s31 =	sshll.u32 s1, $0xD;
	s1 =	sshrl.u32 s1, $0x2  }
0xbd: {  	s3 =	sand.u32 $0x4000, s31;
	s1 =	sadd.s32 s1, s30  }
0xbe: {  	s0 =	sor.u32 s3, s0;
	s1 =	sshll.u32 s1, $0x11  }
0xbf: {  	s0 =	sor.u32 s1, s0  }
0xc0: {  	s0 =	sadd.s32 $0x8F2B, s0  }
0xc1: {  	[sflag:s0] =	ssyncadd.remote.s32 $0x1  }
0xc2: {  	_ =	sfence.sel $0xFFFF  }
0xc3: {  	[dreg:$0x0] =	wrdreg $0xFFFFFFFF;
	(pc) =	sbr.abs _section_cstart, $3  }
0xc4: {  	[dreg:$0x1] =	wrdreg $0xFFFFFFFF  }
0xc5: {  	_ =	task.clear_ibuf [dreg:s9], $0x2FFFF;
	_ =	strace $0x9FFFFFFF  }
0xc6: {  	(tm) =	ssettm $0x7FFFFFFF  }
0xc7: {  	_ =	shalt  }
tec
execute0_lowered:
.L_overlay_start_1:
0x0: {  	(tag) =	ssettag $0x1  }
0x1: {  	s10 =	rddreg [dreg:$0x0]  }
0x2: {  	s11 =	rddreg [dreg:$0x1]  }
0x3: {  	s2 =	rddreg [dreg:$0x2];
	s1 =	srdreg.scid  }
0x4: {  	s0 =	stileid.u32;
	s12 =	rddreg [dreg:$0x3]  }
0x5: {  	s16 =	simm.s32 $0x1;
	s17 =	simm.s32 $0x3;
	s18 =	simm.s32 $0xA400  }
0x6: {  	s19 =	simm.s32 $0x16C00;
	s20 =	simm.s32 $0x2;
	s21 =	simm.s32 $0x1D000  }
0x7: {  	s22 =	simm.s32 $0x4;
	s4 =	sand.u32 $0x1, s1;
	s3 =	sshll.u32 s0, $0x1  }
0x8: {  	s23 =	simm.s32 $0x0;
	s1 =	rddreg [dreg:$0x4];
	s13 =	sor.u32 s4, s3  }
0x9: {  	s3 =	simm.s32 $0x0;
	s4 =	ssub.s32 $0x2, s4;
	s5 =	smul.u32 $0x19000, s13  }
0xa: {  	[smem:$0x7FF] =	sst s3;
	s6 =	sshrl.u32 s4, $0x1;
	s13 =	sshll.u32 s13, $0x4  }
0xb: {  	_ =	strace $0x80000047;
	s14 =	ssub.s32 s4, s6;
	s12 =	sadd.s32 s12, s13  }
0xc: {  	s15 =	sshrl.u32 s5, $0x3;
	s13 =	smax.u32 s14, $0x1;
	s14 =	simm.s32 $0x4000  }
0xd: {  	s4 =	sadd.s32 s10, s15;
	s5 =	sadd.s32 s11, s15;
	s7 =	sadd.s32 $0xC80, s15  }
0xe: {  	s9 =	sadd.s32 $0x1900, s15;
	s15 =	sadd.s32 $0x2580, s15;
	s6 =	sadd.s32 s10, s7  }
0xf: {  	s7 =	sadd.s32 s11, s7;
	s8 =	sadd.s32 s10, s9;
	s9 =	sadd.s32 s11, s9  }
0x10: {  	s10 =	sadd.s32 s10, s15;
	s11 =	sadd.s32 s11, s15;
	s15 =	simm.s32 $0x10800  }
.LBB2_1:
0x11: {  	[tilespmem:s14], [sflag:$0x1] =	stream.linear.gather [hbm4b:s4+s3], $0x6400, $0x38;
	[tilespmem:$0x1D080] =	vst v63  }
0x12: {  	_ = 	snop  }
0x13: {  	[tilespmem:s15], [sflag:$0x1] =	stream.linear.gather [hbm4b:s5+s3], $0x6400, $0x38;
	[tilespmem:$0x1D080] =	vst v63  }
0x14: {  	_ = 	snop  }
0x15: {  	[tilespmem:s3], [sflag:$0x3] =	stream.linear.gather [hbm4b:s2+s3], $0x4000, $0x38;
	[tilespmem:$0x1D080] =	vst v63  }
0x16: {  	_ =	swait.ge [sflag:s16], $0x6400  }
0x17: {  	[sflag:s16] =	ssyncset.done $0x0  }
0x18: {  	[sflag:s16] =	ssyncadd.s32 $0xFFFF9C00  }
0x19: {  	_ =	swait.ge [sflag:s16], $0x6400  }
0x1a: {  	[sflag:s16] =	ssyncset.done $0x0  }
0x1b: {  	[sflag:s16] =	ssyncadd.s32 $0xFFFF9C00  }
0x1c: {  	_ =	swait.ge [sflag:s17], $0x4000  }
0x1d: {  	[sflag:s17] =	ssyncset.done $0x0  }
0x1e: {  	[sflag:s17] =	ssyncadd.s32 $0xFFFFC000  }
0x1f: {  	[tilespmem:s18], [sflag:$0x2] =	stream.linear.gather [hbm4b:s6+s3], $0x6400, $0x38;
	[tilespmem:$0x1D080] =	vst v63  }
0x20: {  	s24 =	simm.s32 $0x0  }
0x21: {  	[tilespmem:s19], [sflag:$0x2] =	stream.linear.gather [hbm4b:s7+s3], $0x6400, $0x38;
	[tilespmem:$0x1D080] =	vst v63  }
0x22: {  	v2 =	vld [tilespmem:s24+$0x4040]  }
0x23: {  	v3 =	vld [tilespmem:s24+$0x4050]  }
0x24: {  	v6 =	vld [tilespmem:s24+$0x4060]  }
0x25: {  	v7 =	vld [tilespmem:s24+$0x4000]  }
0x26: {  	v10 =	vld [tilespmem:s24+$0x4010]  }
0x27: {  	v15 =	vld [tilespmem:s24+$0x4020]  }
0x28: {  	v17 =	vld [tilespmem:s24+$0x4030]  }
0x29: {  	v0 =	vld [tilespmem:s24+$0x10840]  }
0x2a: {  	v1 =	vld [tilespmem:s24+$0x10850]  }
0x2b: {  	v4 =	vld [tilespmem:s24+$0x10800]  }
0x2c: {  	v12 =	vimm.f32 $0.0e+00;
	v5 =	vld [tilespmem:s24+$0x10810]  }
0x2d: {  	s25 =	simm.s32 $0x200;
	v16 =	vimm.f32 $0.0e+00;
	v13 =	vimm.f32 $0.0e+00;
	v14 =	vimm.f32 $0.0e+00;
	v8 =	vld [tilespmem:s24+$0x10820]  }
.LBB2_2:
0x2e: {  	p0 =	sne.s32 s25, $0x18E00;
	v9 =	vld [tilespmem:s24+$0x10830]  }
0x2f: {  	v11 =	vld [tilespmem:s24+$0x10860]  }
0x30: {  	v18 =	vld [tilespmem:s24+$0x10870]  }
0x31: {  	v0 =	vld.idx.msk [tilespmem:v0+s3+$0x0], $0xffff  }
0x32: {  	v1 =	vld.idx.msk [tilespmem:v1+s3+$0x0], $0xffff  }
0x33: {  	v4 =	vld.idx.msk [tilespmem:v4+s3+$0x0], $0xffff  }
0x34: {  	v5 =	vld.idx.msk [tilespmem:v5+s3+$0x0], $0xffff  }
0x35: {  	v8 =	vld.idx.msk [tilespmem:v8+s3+$0x0], $0xffff  }
0x36: {  	v9 =	vld.idx.msk [tilespmem:v9+s3+$0x0], $0xffff  }
0x37: {  	v11 =	vld.idx.msk [tilespmem:v11+s3+$0x0], $0xffff  }
0x38: {  	v18 =	vld.idx.msk [tilespmem:v18+s3+$0x0], $0xffff  }
0x39: {  	v19 =	vld [tilespmem:s24+$0x4070];
	s24 =	sshra.s32 s25, $0x2  }
0x3a: {  	v0 =	vmul.f32 v0, v2;
	v1 =	vmul.f32 v1, v3;
	v2 =	vld [tilespmem:s24+$0x4040]  }
0x3b: {  	v4 =	vmul.f32 v4, v7;
	v5 =	vmul.f32 v5, v10;
	v3 =	vld [tilespmem:s24+$0x4050]  }
0x3c: {  	v8 =	vmul.f32 v8, v15;
	v9 =	vmul.f32 v9, v17;
	v20 =	vld [tilespmem:s24+$0x4060]  }
0x3d: {  	v4 =	vadd.f32 v4, v12;
	v5 =	vadd.f32 v5, v16;
	v6 =	vmul.f32 v11, v6;
	v7 =	vld [tilespmem:s24+$0x4000]  }
0x3e: {  	v8 =	vadd.f32 v8, v13;
	v9 =	vadd.f32 v9, v14;
	v10 =	vld [tilespmem:s24+$0x4010];
	v11 =	vmul.f32 v18, v19  }
0x3f: {  	v12 =	vadd.f32 v0, v4;
	v16 =	vadd.f32 v1, v5;
	v15 =	vld [tilespmem:s24+$0x4020]  }
0x40: {  	v13 =	vadd.f32 v6, v8;
	v17 =	vld [tilespmem:s24+$0x4030];
	v14 =	vadd.f32 v11, v9  }
.Ltmp0:
0x41: {  	v0 =	vld [tilespmem:s24+$0x10840];
	v6 =	vmov v20;
	(pc) =	sbr.rel @p0 .LBB2_2-.Ltmp0, $4  }
0x42: {  	v1 =	vld [tilespmem:s24+$0x10850]  }
0x43: {  	v4 =	vld [tilespmem:s24+$0x10800]  }
0x44: {  	v5 =	vld [tilespmem:s24+$0x10810]  }
0x45: {  	s25 =	sadd.s32 $0x200, s25;
	v8 =	vld [tilespmem:s24+$0x10820]  }
0x46: {  	_ = 	snop  }
0x47: {  	v9 =	vld [tilespmem:s24+$0x10830]  }
0x48: {  	v11 =	vld [tilespmem:s24+$0x10860]  }
0x49: {  	v18 =	vld [tilespmem:s24+$0x10870]  }
0x4a: {  	v19 =	vld.idx.msk [tilespmem:v0+s3+$0x0], $0xffff  }
0x4b: {  	v26 =	vld [tilespmem:s24+$0x4070]  }
0x4c: {  	v20 =	vld.idx.msk [tilespmem:v1+s3+$0x0], $0xffff  }
0x4d: {  	v21 =	vld.idx.msk [tilespmem:v4+s3+$0x0], $0xffff  }
0x4e: {  	v22 =	vld.idx.msk [tilespmem:v5+s3+$0x0], $0xffff  }
0x4f: {  	v23 =	vld.idx.msk [tilespmem:v8+s3+$0x0], $0xffff  }
0x50: {  	v24 =	vld.idx.msk [tilespmem:v9+s3+$0x0], $0xffff  }
0x51: {  	v25 =	vld.idx.msk [tilespmem:v11+s3+$0x0], $0xffff  }
0x52: {  	v18 =	vld.idx.msk [tilespmem:v18+s3+$0x0], $0xffff;
	_ =	swait.ge [sflag:s20], $0x6400  }
0x53: {  	[sflag:s20] =	ssyncset.done $0x0  }
0x54: {  	[sflag:s20] =	ssyncadd.s32 $0xFFFF9C00  }
0x55: {  	_ =	swait.ge [sflag:s20], $0x6400  }
0x56: {  	[sflag:s20] =	ssyncset.done $0x0  }
0x57: {  	s31 =	simm.s32 $0x0;
	[sflag:s20] =	ssyncadd.s32 $0xFFFF9C00  }
0x58: {  	[tilespmem:s14], [sflag:$0x1] =	stream.linear.gather [hbm4b:s8+s31], $0x6400, $0x38;
	[tilespmem:$0x1D080] =	vst v63  }
0x59: {  	s24 =	simm.s32 $0x0  }
0x5a: {  	[tilespmem:s15], [sflag:$0x1] =	stream.linear.gather [hbm4b:s9+s31], $0x6400, $0x38;
	[tilespmem:$0x1D080] =	vst v63  }
0x5b: {  	v0 =	vld [tilespmem:s24+$0xA440]  }
0x5c: {  	v1 =	vld [tilespmem:s24+$0xA450]  }
0x5d: {  	v4 =	vld [tilespmem:s24+$0xA460]  }
0x5e: {  	v5 =	vld [tilespmem:s24+$0xA400]  }
0x5f: {  	v8 =	vld [tilespmem:s24+$0xA410]  }
0x60: {  	v20 =	vmul.f32 v20, v3;
	v3 =	vmul.f32 v21, v7;
	v9 =	vld [tilespmem:s24+$0xA420]  }
0x61: {  	v7 =	vmul.f32 v22, v10;
	v10 =	vmul.f32 v23, v15;
	v11 =	vld [tilespmem:s24+$0xA430]  }
0x62: {  	v19 =	vmul.f32 v19, v2;
	v12 =	vadd.f32 v3, v12;
	v15 =	vmul.f32 v24, v17;
	v2 =	vld [tilespmem:s24+$0x16C40]  }
0x63: {  	v7 =	vadd.f32 v7, v16;
	v10 =	vadd.f32 v10, v13;
	v3 =	vld [tilespmem:s24+$0x16C50]  }
0x64: {  	v16 =	vmul.f32 v25, v6;
	v17 =	vmul.f32 v18, v26;
	v13 =	vadd.f32 v15, v14;
	v6 =	vld [tilespmem:s24+$0x16C00]  }
0x65: {  	v14 =	vadd.f32 v19, v12;
	v15 =	vadd.f32 v20, v7;
	v7 =	vld [tilespmem:s24+$0x16C10]  }
0x66: {  	s25 =	simm.s32 $0x200;
	v12 =	vadd.f32 v16, v10;
	v13 =	vadd.f32 v17, v13;
	v10 =	vld [tilespmem:s24+$0x16C20]  }
.LBB2_4:
0x67: {  	p0 =	sne.s32 s25, $0x18E00;
	v16 =	vld [tilespmem:s24+$0x16C30]  }
0x68: {  	v17 =	vld [tilespmem:s24+$0x16C60]  }
0x69: {  	v18 =	vld [tilespmem:s24+$0x16C70]  }
0x6a: {  	v2 =	vld.idx.msk [tilespmem:v2+s3+$0x0], $0xffff  }
0x6b: {  	v3 =	vld.idx.msk [tilespmem:v3+s3+$0x0], $0xffff  }
0x6c: {  	v6 =	vld.idx.msk [tilespmem:v6+s3+$0x0], $0xffff  }
0x6d: {  	v7 =	vld.idx.msk [tilespmem:v7+s3+$0x0], $0xffff  }
0x6e: {  	v10 =	vld.idx.msk [tilespmem:v10+s3+$0x0], $0xffff  }
0x6f: {  	v16 =	vld.idx.msk [tilespmem:v16+s3+$0x0], $0xffff  }
0x70: {  	v17 =	vld.idx.msk [tilespmem:v17+s3+$0x0], $0xffff  }
0x71: {  	v18 =	vld.idx.msk [tilespmem:v18+s3+$0x0], $0xffff  }
0x72: {  	v19 =	vld [tilespmem:s24+$0xA470];
	s24 =	sshra.s32 s25, $0x2  }
0x73: {  	v2 =	vmul.f32 v2, v0;
	v3 =	vmul.f32 v3, v1;
	v0 =	vld [tilespmem:s24+$0xA440]  }
0x74: {  	v6 =	vmul.f32 v6, v5;
	v7 =	vmul.f32 v7, v8;
	v1 =	vld [tilespmem:s24+$0xA450]  }
0x75: {  	v9 =	vmul.f32 v10, v9;
	v10 =	vmul.f32 v16, v11;
	v20 =	vld [tilespmem:s24+$0xA460]  }
0x76: {  	v6 =	vadd.f32 v6, v14;
	v7 =	vadd.f32 v7, v15;
	v4 =	vmul.f32 v17, v4;
	v5 =	vld [tilespmem:s24+$0xA400]  }
0x77: {  	v12 =	vadd.f32 v9, v12;
	v10 =	vadd.f32 v10, v13;
	v8 =	vld [tilespmem:s24+$0xA410];
	v13 =	vmul.f32 v18, v19  }
0x78: {  	v14 =	vadd.f32 v2, v6;
	v15 =	vadd.f32 v3, v7;
	v9 =	vld [tilespmem:s24+$0xA420]  }
0x79: {  	v12 =	vadd.f32 v4, v12;
	v11 =	vld [tilespmem:s24+$0xA430];
	v13 =	vadd.f32 v13, v10  }
.Ltmp1:
0x7a: {  	v2 =	vld [tilespmem:s24+$0x16C40];
	v4 =	vmov v20;
	(pc) =	sbr.rel @p0 .LBB2_4-.Ltmp1, $4  }
0x7b: {  	v3 =	vld [tilespmem:s24+$0x16C50]  }
0x7c: {  	v6 =	vld [tilespmem:s24+$0x16C00]  }
0x7d: {  	v7 =	vld [tilespmem:s24+$0x16C10]  }
0x7e: {  	s25 =	sadd.s32 $0x200, s25;
	v10 =	vld [tilespmem:s24+$0x16C20]  }
0x7f: {  	_ = 	snop  }
0x80: {  	v16 =	vld [tilespmem:s24+$0x16C30]  }
0x81: {  	v17 =	vld [tilespmem:s24+$0x16C60]  }
0x82: {  	v18 =	vld [tilespmem:s24+$0x16C70]  }
0x83: {  	v19 =	vld.idx.msk [tilespmem:v2+s3+$0x0], $0xffff  }
0x84: {  	v24 =	vld [tilespmem:s24+$0xA470]  }
0x85: {  	v20 =	vld.idx.msk [tilespmem:v3+s3+$0x0], $0xffff  }
0x86: {  	v21 =	vld.idx.msk [tilespmem:v6+s3+$0x0], $0xffff  }
0x87: {  	v22 =	vld.idx.msk [tilespmem:v7+s3+$0x0], $0xffff  }
0x88: {  	v23 =	vld.idx.msk [tilespmem:v10+s3+$0x0], $0xffff  }
0x89: {  	v16 =	vld.idx.msk [tilespmem:v16+s3+$0x0], $0xffff  }
0x8a: {  	v17 =	vld.idx.msk [tilespmem:v17+s3+$0x0], $0xffff  }
0x8b: {  	v18 =	vld.idx.msk [tilespmem:v18+s3+$0x0], $0xffff;
	_ =	swait.ge [sflag:s16], $0x6400  }
0x8c: {  	[sflag:s16] =	ssyncset.done $0x0  }
0x8d: {  	[sflag:s16] =	ssyncadd.s32 $0xFFFF9C00  }
0x8e: {  	_ =	swait.ge [sflag:s16], $0x6400  }
0x8f: {  	[sflag:s16] =	ssyncset.done $0x0  }
0x90: {  	s31 =	simm.s32 $0x0;
	[sflag:s16] =	ssyncadd.s32 $0xFFFF9C00  }
0x91: {  	[tilespmem:s18], [sflag:$0x2] =	stream.linear.gather [hbm4b:s10+s31], $0x6400, $0x38;
	[tilespmem:$0x1D080] =	vst v63  }
0x92: {  	s24 =	simm.s32 $0x0  }
0x93: {  	[tilespmem:s19], [sflag:$0x2] =	stream.linear.gather [hbm4b:s11+s31], $0x6400, $0x38;
	[tilespmem:$0x1D080] =	vst v63  }
0x94: {  	v2 =	vld [tilespmem:s24+$0x4040]  }
0x95: {  	v3 =	vld [tilespmem:s24+$0x4050]  }
0x96: {  	v6 =	vld [tilespmem:s24+$0x4060]  }
0x97: {  	v7 =	vld [tilespmem:s24+$0x4000]  }
0x98: {  	v10 =	vld [tilespmem:s24+$0x4010]  }
0x99: {  	v19 =	vmul.f32 v19, v0;
	v20 =	vmul.f32 v20, v1;
	v1 =	vld [tilespmem:s24+$0x4020]  }
0x9a: {  	v21 =	vmul.f32 v21, v5;
	v8 =	vmul.f32 v22, v8;
	v5 =	vld [tilespmem:s24+$0x4030]  }
0x9b: {  	v9 =	vmul.f32 v23, v9;
	v11 =	vmul.f32 v16, v11;
	v0 =	vld [tilespmem:s24+$0x10840]  }
0x9c: {  	v14 =	vadd.f32 v21, v14;
	v15 =	vadd.f32 v8, v15;
	v16 =	vmul.f32 v17, v4;
	v4 =	vld [tilespmem:s24+$0x10850]  }
0x9d: {  	v9 =	vadd.f32 v9, v12;
	v17 =	vmul.f32 v18, v24;
	v11 =	vadd.f32 v11, v13;
	v8 =	vld [tilespmem:s24+$0x10800]  }
0x9e: {  	v13 =	vadd.f32 v19, v14;
	v14 =	vadd.f32 v20, v15;
	v12 =	vld [tilespmem:s24+$0x10810]  }
0x9f: {  	s25 =	simm.s32 $0x200;
	v9 =	vadd.f32 v16, v9;
	v11 =	vadd.f32 v17, v11;
	v15 =	vld [tilespmem:s24+$0x10820]  }
.LBB2_6:
0xa0: {  	p0 =	sne.s32 s25, $0x18E00;
	v16 =	vld [tilespmem:s24+$0x10830]  }
0xa1: {  	v17 =	vld [tilespmem:s24+$0x10860]  }
0xa2: {  	v18 =	vld [tilespmem:s24+$0x10870]  }
0xa3: {  	v0 =	vld.idx.msk [tilespmem:v0+s3+$0x0], $0xffff  }
0xa4: {  	v4 =	vld.idx.msk [tilespmem:v4+s3+$0x0], $0xffff  }
0xa5: {  	v8 =	vld.idx.msk [tilespmem:v8+s3+$0x0], $0xffff  }
0xa6: {  	v12 =	vld.idx.msk [tilespmem:v12+s3+$0x0], $0xffff  }
0xa7: {  	v15 =	vld.idx.msk [tilespmem:v15+s3+$0x0], $0xffff  }
0xa8: {  	v16 =	vld.idx.msk [tilespmem:v16+s3+$0x0], $0xffff  }
0xa9: {  	v17 =	vld.idx.msk [tilespmem:v17+s3+$0x0], $0xffff  }
0xaa: {  	v18 =	vld.idx.msk [tilespmem:v18+s3+$0x0], $0xffff  }
0xab: {  	v19 =	vld [tilespmem:s24+$0x4070];
	s24 =	sshra.s32 s25, $0x2  }
0xac: {  	v0 =	vmul.f32 v0, v2;
	v4 =	vmul.f32 v4, v3;
	v2 =	vld [tilespmem:s24+$0x4040]  }
0xad: {  	v8 =	vmul.f32 v8, v7;
	v10 =	vmul.f32 v12, v10;
	v3 =	vld [tilespmem:s24+$0x4050]  }
0xae: {  	v1 =	vmul.f32 v15, v1;
	v5 =	vmul.f32 v16, v5;
	v12 =	vld [tilespmem:s24+$0x4060]  }
0xaf: {  	v8 =	vadd.f32 v8, v13;
	v14 =	vadd.f32 v10, v14;
	v6 =	vmul.f32 v17, v6;
	v7 =	vld [tilespmem:s24+$0x4000]  }
0xb0: {  	v9 =	vadd.f32 v1, v9;
	v11 =	vadd.f32 v5, v11;
	v10 =	vld [tilespmem:s24+$0x4010];
	v15 =	vmul.f32 v18, v19  }
0xb1: {  	v13 =	vadd.f32 v0, v8;
	v14 =	vadd.f32 v4, v14;
	v1 =	vld [tilespmem:s24+$0x4020]  }
0xb2: {  	v9 =	vadd.f32 v6, v9;
	v5 =	vld [tilespmem:s24+$0x4030];
	v11 =	vadd.f32 v15, v11  }
.Ltmp2:
0xb3: {  	v0 =	vld [tilespmem:s24+$0x10840];
	v6 =	vmov v12;
	(pc) =	sbr.rel @p0 .LBB2_6-.Ltmp2, $4  }
0xb4: {  	v4 =	vld [tilespmem:s24+$0x10850]  }
0xb5: {  	v8 =	vld [tilespmem:s24+$0x10800]  }
0xb6: {  	v12 =	vld [tilespmem:s24+$0x10810]  }
0xb7: {  	s25 =	sadd.s32 $0x200, s25;
	v15 =	vld [tilespmem:s24+$0x10820]  }
0xb8: {  	_ = 	snop  }
0xb9: {  	v16 =	vld [tilespmem:s24+$0x10830]  }
0xba: {  	v17 =	vld [tilespmem:s24+$0x10860]  }
0xbb: {  	v18 =	vld [tilespmem:s24+$0x10870]  }
0xbc: {  	v19 =	vld.idx.msk [tilespmem:v0+s3+$0x0], $0xffff  }
0xbd: {  	v24 =	vld [tilespmem:s24+$0x4070]  }
0xbe: {  	v20 =	vld.idx.msk [tilespmem:v4+s3+$0x0], $0xffff  }
0xbf: {  	v21 =	vld.idx.msk [tilespmem:v8+s3+$0x0], $0xffff  }
0xc0: {  	v22 =	vld.idx.msk [tilespmem:v12+s3+$0x0], $0xffff  }
0xc1: {  	v23 =	vld.idx.msk [tilespmem:v15+s3+$0x0], $0xffff  }
0xc2: {  	v16 =	vld.idx.msk [tilespmem:v16+s3+$0x0], $0xffff  }
0xc3: {  	v17 =	vld.idx.msk [tilespmem:v17+s3+$0x0], $0xffff  }
0xc4: {  	v18 =	vld.idx.msk [tilespmem:v18+s3+$0x0], $0xffff;
	_ =	swait.ge [sflag:s20], $0x6400  }
0xc5: {  	[sflag:s20] =	ssyncset.done $0x0  }
0xc6: {  	[sflag:s20] =	ssyncadd.s32 $0xFFFF9C00  }
0xc7: {  	_ =	swait.ge [sflag:s20], $0x6400  }
0xc8: {  	[sflag:s20] =	ssyncset.done $0x0  }
0xc9: {  	s24 =	simm.s32 $0x0;
	[sflag:s20] =	ssyncadd.s32 $0xFFFF9C00  }
0xca: {  	v0 =	vld [tilespmem:s24+$0xA440]  }
0xcb: {  	v4 =	vld [tilespmem:s24+$0xA450]  }
0xcc: {  	v12 =	vld [tilespmem:s24+$0xA460]  }
0xcd: {  	v8 =	vld [tilespmem:s24+$0xA400]  }
0xce: {  	v19 =	vmul.f32 v19, v2;
	v15 =	vld [tilespmem:s24+$0xA410]  }
0xcf: {  	v20 =	vmul.f32 v20, v3;
	v7 =	vmul.f32 v21, v7;
	v2 =	vld [tilespmem:s24+$0xA420]  }
0xd0: {  	v63 =	vmul.f32 v22, v10;
	v1 =	vmul.f32 v23, v1;
	v3 =	vld [tilespmem:s24+$0xA430]  }
0xd1: {  	v7 =	vadd.f32 v7, v13;
	v5 =	vmul.f32 v16, v5;
	v10 =	vld [tilespmem:s24+$0x16C40]  }
0xd2: {  	v14 =	vadd.f32 v63, v14;
	v1 =	vadd.f32 v1, v9;
	v13 =	vld [tilespmem:s24+$0x16C50]  }
0xd3: {  	v16 =	vmul.f32 v17, v6;
	v17 =	vmul.f32 v18, v24;
	v9 =	vld [tilespmem:s24+$0x16C00];
	v5 =	vadd.f32 v5, v11  }
0xd4: {  	v6 =	vadd.f32 v19, v7;
	v7 =	vadd.f32 v20, v14;
	v11 =	vld [tilespmem:s24+$0x16C10]  }
0xd5: {  	s25 =	simm.s32 $0x200;
	v14 =	vld [tilespmem:s24+$0x16C20];
	v1 =	vadd.f32 v16, v1;
	v5 =	vadd.f32 v17, v5  }
.LBB2_8:
0xd6: {  	p0 =	sne.s32 s25, $0x18E00;
	v16 =	vld [tilespmem:s24+$0x16C30]  }
0xd7: {  	v17 =	vld [tilespmem:s24+$0x16C60]  }
0xd8: {  	v18 =	vld [tilespmem:s24+$0x16C70]  }
0xd9: {  	v10 =	vld.idx.msk [tilespmem:v10+s3+$0x0], $0xffff  }
0xda: {  	v13 =	vld.idx.msk [tilespmem:v13+s3+$0x0], $0xffff  }
0xdb: {  	v9 =	vld.idx.msk [tilespmem:v9+s3+$0x0], $0xffff  }
0xdc: {  	v11 =	vld.idx.msk [tilespmem:v11+s3+$0x0], $0xffff  }
0xdd: {  	v14 =	vld.idx.msk [tilespmem:v14+s3+$0x0], $0xffff  }
0xde: {  	v16 =	vld.idx.msk [tilespmem:v16+s3+$0x0], $0xffff  }
0xdf: {  	v17 =	vld.idx.msk [tilespmem:v17+s3+$0x0], $0xffff  }
0xe0: {  	v18 =	vld.idx.msk [tilespmem:v18+s3+$0x0], $0xffff  }
0xe1: {  	v19 =	vld [tilespmem:s24+$0xA470];
	s24 =	sshra.s32 s25, $0x2  }
0xe2: {  	v10 =	vmul.f32 v10, v0;
	v13 =	vmul.f32 v13, v4;
	v0 =	vld [tilespmem:s24+$0xA440]  }
0xe3: {  	v9 =	vmul.f32 v9, v8;
	v11 =	vmul.f32 v11, v15;
	v4 =	vld [tilespmem:s24+$0xA450]  }
0xe4: {  	v2 =	vmul.f32 v14, v2;
	v3 =	vmul.f32 v16, v3;
	v20 =	vld [tilespmem:s24+$0xA460]  }
0xe5: {  	v6 =	vadd.f32 v9, v6;
	v7 =	vadd.f32 v11, v7;
	v9 =	vmul.f32 v17, v12;
	v8 =	vld [tilespmem:s24+$0xA400]  }
0xe6: {  	v1 =	vadd.f32 v2, v1;
	v5 =	vadd.f32 v3, v5;
	v15 =	vld [tilespmem:s24+$0xA410];
	v11 =	vmul.f32 v18, v19  }
0xe7: {  	v6 =	vadd.f32 v10, v6;
	v7 =	vadd.f32 v13, v7;
	v2 =	vld [tilespmem:s24+$0xA420]  }
0xe8: {  	v1 =	vadd.f32 v9, v1;
	v3 =	vld [tilespmem:s24+$0xA430];
	v5 =	vadd.f32 v11, v5  }
.Ltmp3:
0xe9: {  	v10 =	vld [tilespmem:s24+$0x16C40];
	v12 =	vmov v20;
	(pc) =	sbr.rel @p0 .LBB2_8-.Ltmp3, $4  }
0xea: {  	v13 =	vld [tilespmem:s24+$0x16C50]  }
0xeb: {  	v9 =	vld [tilespmem:s24+$0x16C00]  }
0xec: {  	v11 =	vld [tilespmem:s24+$0x16C10]  }
0xed: {  	s25 =	sadd.s32 $0x200, s25;
	v14 =	vld [tilespmem:s24+$0x16C20]  }
0xee: {  	_ = 	snop  }
0xef: {  	v16 =	vld [tilespmem:s24+$0x16C30]  }
0xf0: {  	v17 =	vld [tilespmem:s24+$0x16C60]  }
0xf1: {  	v18 =	vld [tilespmem:s24+$0x16C70]  }
0xf2: {  	v10 =	vld.idx.msk [tilespmem:v10+s3+$0x0], $0xffff  }
0xf3: {  	v19 =	vld [tilespmem:s24+$0xA470]  }
0xf4: {  	v13 =	vld.idx.msk [tilespmem:v13+s3+$0x0], $0xffff  }
0xf5: {  	v9 =	vld.idx.msk [tilespmem:v9+s3+$0x0], $0xffff  }
0xf6: {  	v11 =	vld.idx.msk [tilespmem:v11+s3+$0x0], $0xffff  }
0xf7: {  	v14 =	vld.idx.msk [tilespmem:v14+s3+$0x0], $0xffff  }
0xf8: {  	v16 =	vld.idx.msk [tilespmem:v16+s3+$0x0], $0xffff  }
0xf9: {  	v17 =	vld.idx.msk [tilespmem:v17+s3+$0x0], $0xffff  }
0xfa: {  	v18 =	vld.idx.msk [tilespmem:v18+s3+$0x0], $0xffff  }
0xfb: {  	v8 =	vmul.f32 v9, v8  }
0xfc: {  	v60 =	vmul.f32 v11, v15;
	v2 =	vmul.f32 v14, v2  }
0xfd: {  	v0 =	vmul.f32 v10, v0;
	v6 =	vadd.f32 v8, v6;
	v3 =	vmul.f32 v16, v3  }
0xfe: {  	v4 =	vmul.f32 v13, v4;
	v7 =	vadd.f32 v60, v7;
	v1 =	vadd.f32 v2, v1  }
0xff: {  	v61 =	vmul.f32 v17, v12;
	v63 =	vmul.f32 v18, v19;
	v62 =	vadd.f32 v3, v5  }
0x100: {  	v0 =	vadd.f32 v0, v6;
	v4 =	vadd.f32 v4, v7  }
0x101: {  	v1 =	vadd.f32 v61, v1;
	v2 =	vadd.f32 v63, v62;
	_ =	sdelay $0x1  }
0x102: {  	v0 =	vadd.f32 v4, v0;
	v1 =	vadd.f32 v2, v1;
	_ =	sdelay $0x1  }
0x103: {  	s23 =	sadd.s32 $0x1, s23;
	v0 =	vadd.f32 v1, v0  }
0x104: {  	p0 =	sne.s32 s23, s13  }
.Ltmp4:
0x105: {  	[tilespmem:$0x1D000] =	vst v0;
	(pc) =	sbr.rel @p0 .LBB2_1-.Ltmp4, $4  }
0x106: {  	[hbm4b:s12+s3] =	stream.linear.scatter [tilespmem:s21], [sflag:$0x4], $0x80, $0x38;
	[tilespmem:$0x1D080] =	vst v63  }
0x107: {  	_ =	swait.ge [sflag:s22], $0x80  }
0x108: {  	[sflag:s22] =	ssyncset.done $0x0  }
0x109: {  	[sflag:s22] =	ssyncadd.s32 $0xFFFFFF80  }
0x10a: {  	_ =	sfence.sel $0x180000  }
0x10b: {  	[bflag:$0x0] =	sbarrier.arrive $0xFFFF  }
0x10c: {  	p0 =	sne.s32 s0, $0x0;
	_ =	strace $0x90000047  }
0x10d: {  	s0 =	sadd.s32 @!p0 $0x100000, s1;
	[bflag:$0x2] =	sbarrier.arrive $0xFFFF  }
0x10e: {  	[sflag:s0] =	ssyncadd.tile.s32 @!p0 $0x1;
	_ =	shalt  }
.Lfunc_end2:
_tile_overlayer_lowered:
.L_overlay_start_2:
0x10f: {  	(tag) =	ssettag $0x2  }
0x110: {  	s0 =	rddreg [dreg:$0x0];
	s2 =	stileid.u32  }
0x111: {  	s1 =	rddreg [dreg:$0x1];
	p0 =	sne.s32 s2, $0x0  }
0x112: {  	s3 =	rddreg [dreg:$0x2];
	[bflag:$0x3] =	sbarrier.arrive $0xFFFF;
	s2 =	simm.s32 @!p0 $0x1C04  }
0x113: {  	[timem:s3], [sflag:s2] =	dma.local @!p0 [hbm:s0], s1  }
0x114: {  	s0 =	simm.s32 @!p0 $0x4  }
0x115: {  	_ =	swait.ge @!p0 [sflag:s0], s1  }
0x116: {  	s1 =	ssub.s32 @!p0 $0x0, s1;
	[sflag:s0] =	ssyncset.done @!p0 $0x0  }
0x117: {  	[sflag:s0] =	ssyncadd.s32 @!p0 s1  }
0x118: {  	[bflag:$0x3] =	sbarrier.arrive $0xFFFF  }
0x119: {  	_ =	shalt  }

</sc_bundles>
